<compile_context>
chip_gen: v7x
topology: tpu7x:2x2x1
jax: 0.10.2.dev20260603
libtpu: 0.0.44.dev20260713+nightly
codegen_flags: <defaults>
</compile_context>

<pallas_src>
import functools

import jax
import jax.numpy as jnp
from jax import lax
from jax.experimental import pallas as pl
from jax.experimental.pallas import tpu as pltpu
from jax.experimental.pallas import tpu_sc as plsc

SEQ = 128
D = 64


@jax.jit
def _sc_embed(x, emb, pos_t):
    b_total = x.shape[0]
    info = plsc.get_sparse_core_info()
    nc, ns = info.num_cores, info.num_subcores
    nw = nc * ns
    b_per_w = b_total // nw

    mesh = plsc.VectorSubcoreMesh(core_axis_name="c", subcore_axis_name="s")

    @functools.partial(
        pl.kernel,
        mesh=mesh,
        compiler_params=pltpu.CompilerParams(
            use_tc_tiling_on_sc=False, needs_layout_passes=False),
        out_type=jax.ShapeDtypeStruct((b_total, D, SEQ), jnp.float32),
        scratch_types=[
            pltpu.VMEM((b_per_w, SEQ), jnp.int32),
            pltpu.VMEM((D, SEQ), jnp.float32),
            pltpu.VMEM((SEQ, D), jnp.float32),
            pltpu.VMEM((SEQ, D), jnp.float32),
            pltpu.VMEM((D, SEQ), jnp.float32),
            pltpu.VMEM((D, SEQ), jnp.float32),
            pltpu.VMEM((2, 4, 64, 16), jnp.float32),
            pltpu.SemaphoreType.DMA,
            pltpu.SemaphoreType.DMA,
        ],
    )
    def k(x_hbm, emb_hbm, pos_hbm, out_hbm, idx_v, pos_v,
          buf0, buf1, ob0, ob1, pos_diag, sem0, sem1):
        wid = lax.axis_index("s") * nc + lax.axis_index("c")
        base = wid * b_per_w

        pltpu.sync_copy(x_hbm.at[pl.ds(base, b_per_w)], idx_v)
        pltpu.sync_copy(pos_hbm, pos_v)

        def start_gather(c, buf, sem):
            pltpu.make_async_copy(emb_hbm.at[idx_v.at[c]], buf, sem).start()

        start_gather(0, buf0, sem0)
        start_gather(1, buf1, sem1)

        iota = lax.iota(jnp.int32, 16)
        vv = tuple((iota * 17 + 16 * s) & 63 for s in range(4))

        def pre_body(d, acc):
            for h in range(2):
                for s in range(4):
                    t = ((vv[s] + d) & 63) + 64 * h
                    pos_diag[h, s, d] = plsc.load_gather(pos_v, [vv[s], t])
            return acc
        lax.fori_loop(0, 64, pre_body, 0)

        def process(c, buf, ob, sem):
            pltpu.make_async_copy(emb_hbm.at[idx_v.at[c]], buf, sem).wait()

            @plsc.parallel_loop(0, 64, unroll=2)
            def t_body(d):
                for h in range(2):
                    for s in range(4):
                        t = ((vv[s] + d) & 63) + 64 * h
                        g = plsc.load_gather(buf, [t, vv[s]])
                        plsc.store_scatter(ob, [vv[s], t],
                                           g + pos_diag[h, s, d])

            pltpu.sync_copy(ob, out_hbm.at[base + c])

        def body(i, carry):
            c = i * 2
            process(c, buf0, ob0, sem0)
            start_gather(lax.rem(c + 2, b_per_w), buf0, sem0)
            process(c + 1, buf1, ob1, sem1)
            start_gather(lax.rem(c + 3, b_per_w), buf1, sem1)
            return carry

        lax.fori_loop(0, b_per_w // 2, body, 0)

        pltpu.make_async_copy(emb_hbm.at[idx_v.at[0]], buf0, sem0).wait()
        pltpu.make_async_copy(emb_hbm.at[idx_v.at[1]], buf1, sem1).wait()

    return k(x, emb, pos_t)


def kernel(x, embedding, pos_embedding):
    out_t = _sc_embed(x.astype(jnp.int32), embedding, pos_embedding.T)
    return out_t.transpose(0, 2, 1)

# --- scband reference (transcript-rebuilt; emitter-appended) ---
"""Pipeline reference for scband-transformer-82240033783975 (READ-ONLY COPY).

The authoritative reference and input builder live on the scoring server;
editing this copy changes nothing except your own understanding.
"""

import jax, jax.numpy as jnp
import numpy as np

TOKEN_SEQUENCE_LENGTH = 128

def setup_inputs(seed: int = 0) -> dict:
    key = jax.random.key(seed)
    k1, k2, k3 = jax.random.split(key, 3)
    x = jax.random.randint(k1, (4096, 128), 0, 1000000, dtype=jnp.int64) if jax.config.jax_enable_x64 else jax.random.randint(k1, (4096, 128), 0, 1000000)
    embedding = jax.random.normal(k2, (1000000, 64), dtype=jnp.float32)
    pos_embedding = jax.random.normal(k3, (TOKEN_SEQUENCE_LENGTH, 64), dtype=jnp.float32)
    return {"x": x, "embedding": embedding, "pos_embedding": pos_embedding}

def reference(x, embedding, pos_embedding):
    # token embedding lookup
    out = jnp.take(embedding, x, axis=0)  # [B, 128, 64]
    # positional embedding lookup, broadcast over batch
    positions = jnp.arange(TOKEN_SEQUENCE_LENGTH)[None, :]  # [1, 128]
    pos = jnp.take(pos_embedding, positions, axis=0)  # [1, 128, 64]
    out = out + pos
    return out

if __name__ == "__main__":
    import jax
    _d = setup_inputs()
    print(jax.jit(kernel)(*tuple(_d.values())))

</pallas_src>

<mosaic_0001>
#map = affine_map<(d0, d1) -> (0, 0)>
#map1 = affine_map<(d0, d1) -> (0, 0, 0)>
module attributes {stable_mosaic.version = 14 : i64} {
  func.func @k(%arg0: i32, %arg1: i32, %arg2: memref<4096x128xi32, #tpu.memory_space<hbm>>, %arg3: memref<1000000x64xf32, #tpu.memory_space<hbm>>, %arg4: memref<64x128xf32, #tpu.memory_space<hbm>>, %arg5: memref<4096x64x128xf32, #tpu.memory_space<hbm>>, %arg6: memref<128x128xi32, #tpu.memory_space<vmem>>, %arg7: memref<64x128xf32, #tpu.memory_space<vmem>>, %arg8: memref<128x64xf32, #tpu.memory_space<vmem>>, %arg9: memref<128x64xf32, #tpu.memory_space<vmem>>, %arg10: memref<64x128xf32, #tpu.memory_space<vmem>>, %arg11: memref<64x128xf32, #tpu.memory_space<vmem>>, %arg12: memref<2x4x64x16xf32, #tpu.memory_space<vmem>>, %arg13: memref<!tpu.dma_semaphore, #tpu.memory_space<semaphore_mem>>, %arg14: memref<!tpu.dma_semaphore, #tpu.memory_space<semaphore_mem>>) attributes {dimension_semantics = [#tpu.dimension_semantics<core_parallel>, #tpu.dimension_semantics<subcore_parallel>], iteration_bounds = array<i64: 2, 16>, scalar_prefetch = 0 : i64, scratch_operands = 9 : i64, tpu.core_type = #tpu.core_type<sc_vector_subcore>, window_params = [{transform_indices = #map}, {transform_indices = #map}, {transform_indices = #map}, {transform_indices = #map1}]} {
    %mul3A = arith.constant 2 : i32
    %mul3A_0 = arith.muli %arg1, %mul3A : i32
    %add3A = arith.addi %mul3A_0, %arg0 : i32
    %mul3A_1 = arith.constant 128 : i32
    %mul3A_2 = arith.muli %add3A, %mul3A_1 : i32
    "tpu.region"() ({
      %run_scoped3A = tpu.sem_alloc : memref<!tpu.dma_semaphore, #tpu.memory_space<semaphore_mem>>
      %dma_start3A_75 = arith.constant 0 : i32
      %dma_start3A_76 = tpu.memref_slice %arg2[%mul3A_2, %dma_start3A_75] : memref<4096x128xi32, #tpu.memory_space<hbm>> -> memref<128x128xi32, #tpu.memory_space<hbm>>
      %dma_start3A_77 = arith.constant 0 : i32
      %dma_start3A_78 = tpu.memref_slice %arg2[%mul3A_2, %dma_start3A_77] : memref<4096x128xi32, #tpu.memory_space<hbm>> -> memref<128x128xi32, #tpu.memory_space<hbm>>
      tpu.enqueue_dma source(%dma_start3A_78 : memref<128x128xi32, #tpu.memory_space<hbm>>) target(%arg6 : memref<128x128xi32, #tpu.memory_space<vmem>>) target_semaphore(%run_scoped3A : memref<!tpu.dma_semaphore, #tpu.memory_space<semaphore_mem>>)
      %dma_wait3A_79 = arith.constant 0 : i32
      %dma_wait3A_80 = tpu.memref_slice %arg2[%mul3A_2, %dma_wait3A_79] : memref<4096x128xi32, #tpu.memory_space<hbm>> -> memref<128x128xi32, #tpu.memory_space<hbm>>
      %dma_wait3A_81 = arith.constant 0 : i32
      %dma_wait3A_82 = tpu.memref_slice %arg2[%mul3A_2, %dma_wait3A_81] : memref<4096x128xi32, #tpu.memory_space<hbm>> -> memref<128x128xi32, #tpu.memory_space<hbm>>
      tpu.wait_dma2 semaphore(%run_scoped3A : memref<!tpu.dma_semaphore, #tpu.memory_space<semaphore_mem>>) src(%dma_wait3A_82 : memref<128x128xi32, #tpu.memory_space<hbm>>) dst(%arg6 : memref<128x128xi32, #tpu.memory_space<vmem>>)
      tpu.yield
    }) : () -> ()
    "tpu.region"() ({
      %run_scoped3A = tpu.sem_alloc : memref<!tpu.dma_semaphore, #tpu.memory_space<semaphore_mem>>
      tpu.enqueue_dma source(%arg4 : memref<64x128xf32, #tpu.memory_space<hbm>>) target(%arg7 : memref<64x128xf32, #tpu.memory_space<vmem>>) target_semaphore(%run_scoped3A : memref<!tpu.dma_semaphore, #tpu.memory_space<semaphore_mem>>)
      tpu.wait_dma2 semaphore(%run_scoped3A : memref<!tpu.dma_semaphore, #tpu.memory_space<semaphore_mem>>) src(%arg4 : memref<64x128xf32, #tpu.memory_space<hbm>>) dst(%arg7 : memref<64x128xf32, #tpu.memory_space<vmem>>)
      tpu.yield
    }) : () -> ()
    %dma_start3A = arith.constant 0 : i32
    %dma_start3A_3 = arith.constant 0 : i32
    %dma_start3A_4 = tpu.memref_slice %arg6[%dma_start3A, %dma_start3A_3] : memref<128x128xi32, #tpu.memory_space<vmem>> -> memref<1x128xi32, #tpu.memory_space<vmem>>
    %dma_start3A_5 = tpu.memref_squeeze %dma_start3A_4 : memref<1x128xi32, #tpu.memory_space<vmem>> -> memref<128xi32, #tpu.memory_space<vmem>>
    %dma_start3A_6 = arith.constant 0 : i32
    %dma_start3A_7 = arith.constant 0 : i32
    %dma_start3A_8 = tpu.memref_slice %arg3[%dma_start3A_6, %dma_start3A_7] : memref<1000000x64xf32, #tpu.memory_space<hbm>> -> memref<1000000x64xf32, #tpu.memory_space<hbm>>
    tpu.enqueue_indirect_dma source(%dma_start3A_8 : memref<1000000x64xf32, #tpu.memory_space<hbm>>) target(%arg8 : memref<128x64xf32, #tpu.memory_space<vmem>>) offsets(%dma_start3A_5 : memref<128xi32, #tpu.memory_space<vmem>>) semaphore(%arg13 : memref<!tpu.dma_semaphore, #tpu.memory_space<semaphore_mem>>)
    %dma_start3A_9 = arith.constant 1 : i32
    %dma_start3A_10 = arith.constant 0 : i32
    %dma_start3A_11 = tpu.memref_slice %arg6[%dma_start3A_9, %dma_start3A_10] : memref<128x128xi32, #tpu.memory_space<vmem>> -> memref<1x128xi32, #tpu.memory_space<vmem>>
    %dma_start3A_12 = tpu.memref_squeeze %dma_start3A_11 : memref<1x128xi32, #tpu.memory_space<vmem>> -> memref<128xi32, #tpu.memory_space<vmem>>
    %dma_start3A_13 = arith.constant 0 : i32
    %dma_start3A_14 = arith.constant 0 : i32
    %dma_start3A_15 = tpu.memref_slice %arg3[%dma_start3A_13, %dma_start3A_14] : memref<1000000x64xf32, #tpu.memory_space<hbm>> -> memref<1000000x64xf32, #tpu.memory_space<hbm>>
    tpu.enqueue_indirect_dma source(%dma_start3A_15 : memref<1000000x64xf32, #tpu.memory_space<hbm>>) target(%arg9 : memref<128x64xf32, #tpu.memory_space<vmem>>) offsets(%dma_start3A_12 : memref<128xi32, #tpu.memory_space<vmem>>) semaphore(%arg14 : memref<!tpu.dma_semaphore, #tpu.memory_space<semaphore_mem>>)
    %iota3A = tpu.iota {dimensions = array<i32: 0>} : vector<16xi32>
    %mul3A_16 = arith.constant 17 : i32
    %mul3A_17 = vector.broadcast %mul3A_16 : i32 to vector<16xi32>
    %mul3A_18 = arith.muli %iota3A, %mul3A_17 : vector<16xi32>
    %add3A_19 = arith.constant 0 : i32
    %add3A_20 = vector.broadcast %add3A_19 : i32 to vector<16xi32>
    %add3A_21 = arith.addi %mul3A_18, %add3A_20 : vector<16xi32>
    %and3A = arith.constant 63 : i32
    %and3A_22 = vector.broadcast %and3A : i32 to vector<16xi32>
    %and3A_23 = arith.andi %add3A_21, %and3A_22 : vector<16xi32>
    %mul3A_24 = arith.constant 17 : i32
    %mul3A_25 = vector.broadcast %mul3A_24 : i32 to vector<16xi32>
    %mul3A_26 = arith.muli %iota3A, %mul3A_25 : vector<16xi32>
    %add3A_27 = arith.constant 16 : i32
    %add3A_28 = vector.broadcast %add3A_27 : i32 to vector<16xi32>
    %add3A_29 = arith.addi %mul3A_26, %add3A_28 : vector<16xi32>
    %and3A_30 = arith.constant 63 : i32
    %and3A_31 = vector.broadcast %and3A_30 : i32 to vector<16xi32>
    %and3A_32 = arith.andi %add3A_29, %and3A_31 : vector<16xi32>
    %mul3A_33 = arith.constant 17 : i32
    %mul3A_34 = vector.broadcast %mul3A_33 : i32 to vector<16xi32>
    %mul3A_35 = arith.muli %iota3A, %mul3A_34 : vector<16xi32>
    %add3A_36 = arith.constant 32 : i32
    %add3A_37 = vector.broadcast %add3A_36 : i32 to vector<16xi32>
    %add3A_38 = arith.addi %mul3A_35, %add3A_37 : vector<16xi32>
    %and3A_39 = arith.constant 63 : i32
    %and3A_40 = vector.broadcast %and3A_39 : i32 to vector<16xi32>
    %and3A_41 = arith.andi %add3A_38, %and3A_40 : vector<16xi32>
    %mul3A_42 = arith.constant 17 : i32
    %mul3A_43 = vector.broadcast %mul3A_42 : i32 to vector<16xi32>
    %mul3A_44 = arith.muli %iota3A, %mul3A_43 : vector<16xi32>
    %add3A_45 = arith.constant 48 : i32
    %add3A_46 = vector.broadcast %add3A_45 : i32 to vector<16xi32>
    %add3A_47 = arith.addi %mul3A_44, %add3A_46 : vector<16xi32>
    %and3A_48 = arith.constant 63 : i32
    %and3A_49 = vector.broadcast %and3A_48 : i32 to vector<16xi32>
    %and3A_50 = arith.andi %add3A_47, %and3A_49 : vector<16xi32>
    %scan3A = arith.constant 0 : i32
    %scan3A_51 = arith.constant 0 : i32
    %scan3A_52 = arith.constant 64 : i32
    %scan3A_53 = arith.addi %scan3A_51, %scan3A_52 : i32
    %scan3A_54 = arith.constant 1 : i32
    scf.for %scan3A_75 = %scan3A_51 to %scan3A_53 step %scan3A_54  : i32 {
      %add3A_76 = vector.broadcast %scan3A_75 : i32 to vector<16xi32>
      %add3A_77 = arith.addi %and3A_23, %add3A_76 : vector<16xi32>
      %and3A_78 = arith.constant 63 : i32
      %and3A_79 = vector.broadcast %and3A_78 : i32 to vector<16xi32>
      %and3A_80 = arith.andi %add3A_77, %and3A_79 : vector<16xi32>
      %add3A_81 = arith.constant 0 : i32
      %add3A_82 = vector.broadcast %add3A_81 : i32 to vector<16xi32>
      %add3A_83 = arith.addi %and3A_80, %add3A_82 : vector<16xi32>
      %gather3A = tpu.vector_load_idx %arg7[%and3A_23, %add3A_83] : memref<64x128xf32, #tpu.memory_space<vmem>>[vector<16xi32>, vector<16xi32>], vector<16xf32>,
      %swap3A = arith.constant 0 : i32
      %swap3A_84 = arith.constant 0 : i32
      %swap3A_85 = arith.index_cast %swap3A : i32 to index
      %swap3A_86 = arith.index_cast %swap3A_84 : i32 to index
      %swap3A_87 = arith.index_cast %scan3A_75 : i32 to index
      %swap3A_88 = arith.constant 0 : index
      %swap3A_89 = tpu.vector_load %arg12[%swap3A_85, %swap3A_86, %swap3A_87, %swap3A_88] {strides = array<i32>} : memref<2x4x64x16xf32, #tpu.memory_space<vmem>>, vector<16xf32>,
      tpu.vector_store %arg12[%swap3A_85, %swap3A_86, %swap3A_87, %swap3A_88], %gather3A {strides = array<i32>} : memref<2x4x64x16xf32, #tpu.memory_space<vmem>>, vector<16xf32>,
      %add3A_90 = vector.broadcast %scan3A_75 : i32 to vector<16xi32>
      %add3A_91 = arith.addi %and3A_32, %add3A_90 : vector<16xi32>
      %and3A_92 = arith.constant 63 : i32
      %and3A_93 = vector.broadcast %and3A_92 : i32 to vector<16xi32>
      %and3A_94 = arith.andi %add3A_91, %and3A_93 : vector<16xi32>
      %add3A_95 = arith.constant 0 : i32
      %add3A_96 = vector.broadcast %add3A_95 : i32 to vector<16xi32>
      %add3A_97 = arith.addi %and3A_94, %add3A_96 : vector<16xi32>
      %gather3A_98 = tpu.vector_load_idx %arg7[%and3A_32, %add3A_97] : memref<64x128xf32, #tpu.memory_space<vmem>>[vector<16xi32>, vector<16xi32>], vector<16xf32>,
      %swap3A_99 = arith.constant 0 : i32
      %swap3A_100 = arith.constant 1 : i32
      %swap3A_101 = arith.index_cast %swap3A_99 : i32 to index
      %swap3A_102 = arith.index_cast %swap3A_100 : i32 to index
      %swap3A_103 = arith.index_cast %scan3A_75 : i32 to index
      %swap3A_104 = arith.constant 0 : index
      %swap3A_105 = tpu.vector_load %arg12[%swap3A_101, %swap3A_102, %swap3A_103, %swap3A_104] {strides = array<i32>} : memref<2x4x64x16xf32, #tpu.memory_space<vmem>>, vector<16xf32>,
      tpu.vector_store %arg12[%swap3A_101, %swap3A_102, %swap3A_103, %swap3A_104], %gather3A_98 {strides = array<i32>} : memref<2x4x64x16xf32, #tpu.memory_space<vmem>>, vector<16xf32>,
      %add3A_106 = vector.broadcast %scan3A_75 : i32 to vector<16xi32>
      %add3A_107 = arith.addi %and3A_41, %add3A_106 : vector<16xi32>
      %and3A_108 = arith.constant 63 : i32
      %and3A_109 = vector.broadcast %and3A_108 : i32 to vector<16xi32>
      %and3A_110 = arith.andi %add3A_107, %and3A_109 : vector<16xi32>
      %add3A_111 = arith.constant 0 : i32
      %add3A_112 = vector.broadcast %add3A_111 : i32 to vector<16xi32>
      %add3A_113 = arith.addi %and3A_110, %add3A_112 : vector<16xi32>
      %gather3A_114 = tpu.vector_load_idx %arg7[%and3A_41, %add3A_113] : memref<64x128xf32, #tpu.memory_space<vmem>>[vector<16xi32>, vector<16xi32>], vector<16xf32>,
      %swap3A_115 = arith.constant 0 : i32
      %swap3A_116 = arith.constant 2 : i32
      %swap3A_117 = arith.index_cast %swap3A_115 : i32 to index
      %swap3A_118 = arith.index_cast %swap3A_116 : i32 to index
      %swap3A_119 = arith.index_cast %scan3A_75 : i32 to index
      %swap3A_120 = arith.constant 0 : index
      %swap3A_121 = tpu.vector_load %arg12[%swap3A_117, %swap3A_118, %swap3A_119, %swap3A_120] {strides = array<i32>} : memref<2x4x64x16xf32, #tpu.memory_space<vmem>>, vector<16xf32>,
      tpu.vector_store %arg12[%swap3A_117, %swap3A_118, %swap3A_119, %swap3A_120], %gather3A_114 {strides = array<i32>} : memref<2x4x64x16xf32, #tpu.memory_space<vmem>>, vector<16xf32>,
      %add3A_122 = vector.broadcast %scan3A_75 : i32 to vector<16xi32>
      %add3A_123 = arith.addi %and3A_50, %add3A_122 : vector<16xi32>
      %and3A_124 = arith.constant 63 : i32
      %and3A_125 = vector.broadcast %and3A_124 : i32 to vector<16xi32>
      %and3A_126 = arith.andi %add3A_123, %and3A_125 : vector<16xi32>
      %add3A_127 = arith.constant 0 : i32
      %add3A_128 = vector.broadcast %add3A_127 : i32 to vector<16xi32>
      %add3A_129 = arith.addi %and3A_126, %add3A_128 : vector<16xi32>
      %gather3A_130 = tpu.vector_load_idx %arg7[%and3A_50, %add3A_129] : memref<64x128xf32, #tpu.memory_space<vmem>>[vector<16xi32>, vector<16xi32>], vector<16xf32>,
      %swap3A_131 = arith.constant 0 : i32
      %swap3A_132 = arith.constant 3 : i32
      %swap3A_133 = arith.index_cast %swap3A_131 : i32 to index
      %swap3A_134 = arith.index_cast %swap3A_132 : i32 to index
      %swap3A_135 = arith.index_cast %scan3A_75 : i32 to index
      %swap3A_136 = arith.constant 0 : index
      %swap3A_137 = tpu.vector_load %arg12[%swap3A_133, %swap3A_134, %swap3A_135, %swap3A_136] {strides = array<i32>} : memref<2x4x64x16xf32, #tpu.memory_space<vmem>>, vector<16xf32>,
      tpu.vector_store %arg12[%swap3A_133, %swap3A_134, %swap3A_135, %swap3A_136], %gather3A_130 {strides = array<i32>} : memref<2x4x64x16xf32, #tpu.memory_space<vmem>>, vector<16xf32>,
      %add3A_138 = vector.broadcast %scan3A_75 : i32 to vector<16xi32>
      %add3A_139 = arith.addi %and3A_23, %add3A_138 : vector<16xi32>
      %and3A_140 = arith.constant 63 : i32
      %and3A_141 = vector.broadcast %and3A_140 : i32 to vector<16xi32>
      %and3A_142 = arith.andi %add3A_139, %and3A_141 : vector<16xi32>
      %add3A_143 = arith.constant 64 : i32
      %add3A_144 = vector.broadcast %add3A_143 : i32 to vector<16xi32>
      %add3A_145 = arith.addi %and3A_142, %add3A_144 : vector<16xi32>
      %gather3A_146 = tpu.vector_load_idx %arg7[%and3A_23, %add3A_145] : memref<64x128xf32, #tpu.memory_space<vmem>>[vector<16xi32>, vector<16xi32>], vector<16xf32>,
      %swap3A_147 = arith.constant 1 : i32
      %swap3A_148 = arith.constant 0 : i32
      %swap3A_149 = arith.index_cast %swap3A_147 : i32 to index
      %swap3A_150 = arith.index_cast %swap3A_148 : i32 to index
      %swap3A_151 = arith.index_cast %scan3A_75 : i32 to index
      %swap3A_152 = arith.constant 0 : index
      %swap3A_153 = tpu.vector_load %arg12[%swap3A_149, %swap3A_150, %swap3A_151, %swap3A_152] {strides = array<i32>} : memref<2x4x64x16xf32, #tpu.memory_space<vmem>>, vector<16xf32>,
      tpu.vector_store %arg12[%swap3A_149, %swap3A_150, %swap3A_151, %swap3A_152], %gather3A_146 {strides = array<i32>} : memref<2x4x64x16xf32, #tpu.memory_space<vmem>>, vector<16xf32>,
      %add3A_154 = vector.broadcast %scan3A_75 : i32 to vector<16xi32>
      %add3A_155 = arith.addi %and3A_32, %add3A_154 : vector<16xi32>
      %and3A_156 = arith.constant 63 : i32
      %and3A_157 = vector.broadcast %and3A_156 : i32 to vector<16xi32>
      %and3A_158 = arith.andi %add3A_155, %and3A_157 : vector<16xi32>
      %add3A_159 = arith.constant 64 : i32
      %add3A_160 = vector.broadcast %add3A_159 : i32 to vector<16xi32>
      %add3A_161 = arith.addi %and3A_158, %add3A_160 : vector<16xi32>
      %gather3A_162 = tpu.vector_load_idx %arg7[%and3A_32, %add3A_161] : memref<64x128xf32, #tpu.memory_space<vmem>>[vector<16xi32>, vector<16xi32>], vector<16xf32>,
      %swap3A_163 = arith.constant 1 : i32
      %swap3A_164 = arith.constant 1 : i32
      %swap3A_165 = arith.index_cast %swap3A_163 : i32 to index
      %swap3A_166 = arith.index_cast %swap3A_164 : i32 to index
      %swap3A_167 = arith.index_cast %scan3A_75 : i32 to index
      %swap3A_168 = arith.constant 0 : index
      %swap3A_169 = tpu.vector_load %arg12[%swap3A_165, %swap3A_166, %swap3A_167, %swap3A_168] {strides = array<i32>} : memref<2x4x64x16xf32, #tpu.memory_space<vmem>>, vector<16xf32>,
      tpu.vector_store %arg12[%swap3A_165, %swap3A_166, %swap3A_167, %swap3A_168], %gather3A_162 {strides = array<i32>} : memref<2x4x64x16xf32, #tpu.memory_space<vmem>>, vector<16xf32>,
      %add3A_170 = vector.broadcast %scan3A_75 : i32 to vector<16xi32>
      %add3A_171 = arith.addi %and3A_41, %add3A_170 : vector<16xi32>
      %and3A_172 = arith.constant 63 : i32
      %and3A_173 = vector.broadcast %and3A_172 : i32 to vector<16xi32>
      %and3A_174 = arith.andi %add3A_171, %and3A_173 : vector<16xi32>
      %add3A_175 = arith.constant 64 : i32
      %add3A_176 = vector.broadcast %add3A_175 : i32 to vector<16xi32>
      %add3A_177 = arith.addi %and3A_174, %add3A_176 : vector<16xi32>
      %gather3A_178 = tpu.vector_load_idx %arg7[%and3A_41, %add3A_177] : memref<64x128xf32, #tpu.memory_space<vmem>>[vector<16xi32>, vector<16xi32>], vector<16xf32>,
      %swap3A_179 = arith.constant 1 : i32
      %swap3A_180 = arith.constant 2 : i32
      %swap3A_181 = arith.index_cast %swap3A_179 : i32 to index
      %swap3A_182 = arith.index_cast %swap3A_180 : i32 to index
      %swap3A_183 = arith.index_cast %scan3A_75 : i32 to index
      %swap3A_184 = arith.constant 0 : index
      %swap3A_185 = tpu.vector_load %arg12[%swap3A_181, %swap3A_182, %swap3A_183, %swap3A_184] {strides = array<i32>} : memref<2x4x64x16xf32, #tpu.memory_space<vmem>>, vector<16xf32>,
      tpu.vector_store %arg12[%swap3A_181, %swap3A_182, %swap3A_183, %swap3A_184], %gather3A_178 {strides = array<i32>} : memref<2x4x64x16xf32, #tpu.memory_space<vmem>>, vector<16xf32>,
      %add3A_186 = vector.broadcast %scan3A_75 : i32 to vector<16xi32>
      %add3A_187 = arith.addi %and3A_50, %add3A_186 : vector<16xi32>
      %and3A_188 = arith.constant 63 : i32
      %and3A_189 = vector.broadcast %and3A_188 : i32 to vector<16xi32>
      %and3A_190 = arith.andi %add3A_187, %and3A_189 : vector<16xi32>
      %add3A_191 = arith.constant 64 : i32
      %add3A_192 = vector.broadcast %add3A_191 : i32 to vector<16xi32>
      %add3A_193 = arith.addi %and3A_190, %add3A_192 : vector<16xi32>
      %gather3A_194 = tpu.vector_load_idx %arg7[%and3A_50, %add3A_193] : memref<64x128xf32, #tpu.memory_space<vmem>>[vector<16xi32>, vector<16xi32>], vector<16xf32>,
      %swap3A_195 = arith.constant 1 : i32
      %swap3A_196 = arith.constant 3 : i32
      %swap3A_197 = arith.index_cast %swap3A_195 : i32 to index
      %swap3A_198 = arith.index_cast %swap3A_196 : i32 to index
      %swap3A_199 = arith.index_cast %scan3A_75 : i32 to index
      %swap3A_200 = arith.constant 0 : index
      %swap3A_201 = tpu.vector_load %arg12[%swap3A_197, %swap3A_198, %swap3A_199, %swap3A_200] {strides = array<i32>} : memref<2x4x64x16xf32, #tpu.memory_space<vmem>>, vector<16xf32>,
      tpu.vector_store %arg12[%swap3A_197, %swap3A_198, %swap3A_199, %swap3A_200], %gather3A_194 {strides = array<i32>} : memref<2x4x64x16xf32, #tpu.memory_space<vmem>>, vector<16xf32>,
    }
    %scan3A_55 = arith.constant 64 : i32
    %scan3A_56 = arith.constant 0 : i32
    %scan3A_57 = arith.constant 0 : i32
    %scan3A_58 = arith.constant 64 : i32
    %scan3A_59 = arith.addi %scan3A_57, %scan3A_58 : i32
    %scan3A_60 = arith.constant 1 : i32
    scf.for %scan3A_75 = %scan3A_57 to %scan3A_59 step %scan3A_60  : i32 {
      %mul3A_76 = arith.constant 2 : i32
      %mul3A_77 = arith.muli %scan3A_75, %mul3A_76 : i32
      %dma_wait3A_78 = arith.constant 0 : i32
      %dma_wait3A_79 = tpu.memref_slice %arg6[%mul3A_77, %dma_wait3A_78] : memref<128x128xi32, #tpu.memory_space<vmem>> -> memref<1x128xi32, #tpu.memory_space<vmem>>
      %dma_wait3A_80 = tpu.memref_squeeze %dma_wait3A_79 : memref<1x128xi32, #tpu.memory_space<vmem>> -> memref<128xi32, #tpu.memory_space<vmem>>
      %dma_wait3A_81 = arith.constant 0 : i32
      %dma_wait3A_82 = arith.constant 0 : i32
      %dma_wait3A_83 = tpu.memref_slice %arg3[%dma_wait3A_81, %dma_wait3A_82] : memref<1000000x64xf32, #tpu.memory_space<hbm>> -> memref<1000000x64xf32, #tpu.memory_space<hbm>>
      tpu.wait_indirect_dma semaphore(%arg13 : memref<!tpu.dma_semaphore, #tpu.memory_space<semaphore_mem>>) src(%dma_wait3A_83 : memref<1000000x64xf32, #tpu.memory_space<hbm>>) dst(%arg8 : memref<128x64xf32, #tpu.memory_space<vmem>>)
      %parallel_loop3A = arith.constant 0 : i32
      %parallel_loop3A_84 = arith.constant 64 : i32
      %parallel_loop3A_85 = arith.constant 1 : i32
      scf.for %parallel_loop3A_118 = %parallel_loop3A to %parallel_loop3A_84 step %parallel_loop3A_85  : i32 {
        %parallel_loop3A_119 = vector.broadcast %parallel_loop3A_118 : i32 to vector<16xi32>
        %parallel_loop3A_120 = arith.addi %and3A_23, %parallel_loop3A_119 : vector<16xi32>
        %parallel_loop3A_121 = arith.constant 63 : i32
        %parallel_loop3A_122 = vector.broadcast %parallel_loop3A_121 : i32 to vector<16xi32>
        %parallel_loop3A_123 = arith.andi %parallel_loop3A_120, %parallel_loop3A_122 : vector<16xi32>
        %parallel_loop3A_124 = arith.constant 0 : i32
        %parallel_loop3A_125 = vector.broadcast %parallel_loop3A_124 : i32 to vector<16xi32>
        %parallel_loop3A_126 = arith.addi %parallel_loop3A_123, %parallel_loop3A_125 : vector<16xi32>
        %parallel_loop3A_127 = tpu.vector_load_idx %arg8[%parallel_loop3A_126, %and3A_23] : memref<128x64xf32, #tpu.memory_space<vmem>>[vector<16xi32>, vector<16xi32>], vector<16xf32>,
        %parallel_loop3A_128 = arith.constant 0 : i32
        %parallel_loop3A_129 = arith.constant 0 : i32
        %parallel_loop3A_130 = arith.index_cast %parallel_loop3A_128 : i32 to index
        %parallel_loop3A_131 = arith.index_cast %parallel_loop3A_129 : i32 to index
        %parallel_loop3A_132 = arith.index_cast %parallel_loop3A_118 : i32 to index
        %parallel_loop3A_133 = arith.constant 0 : index
        %parallel_loop3A_134 = tpu.vector_load %arg12[%parallel_loop3A_130, %parallel_loop3A_131, %parallel_loop3A_132, %parallel_loop3A_133] {strides = array<i32>} : memref<2x4x64x16xf32, #tpu.memory_space<vmem>>, vector<16xf32>,
        %parallel_loop3A_135 = arith.addf %parallel_loop3A_127, %parallel_loop3A_134 : vector<16xf32>
        tpu.vector_store_idx %arg10[%and3A_23, %parallel_loop3A_126], %parallel_loop3A_135 : memref<64x128xf32, #tpu.memory_space<vmem>>[vector<16xi32>, vector<16xi32>], vector<16xf32>,
        %parallel_loop3A_136 = vector.broadcast %parallel_loop3A_118 : i32 to vector<16xi32>
        %parallel_loop3A_137 = arith.addi %and3A_32, %parallel_loop3A_136 : vector<16xi32>
        %parallel_loop3A_138 = arith.constant 63 : i32
        %parallel_loop3A_139 = vector.broadcast %parallel_loop3A_138 : i32 to vector<16xi32>
        %parallel_loop3A_140 = arith.andi %parallel_loop3A_137, %parallel_loop3A_139 : vector<16xi32>
        %parallel_loop3A_141 = arith.constant 0 : i32
        %parallel_loop3A_142 = vector.broadcast %parallel_loop3A_141 : i32 to vector<16xi32>
        %parallel_loop3A_143 = arith.addi %parallel_loop3A_140, %parallel_loop3A_142 : vector<16xi32>
        %parallel_loop3A_144 = tpu.vector_load_idx %arg8[%parallel_loop3A_143, %and3A_32] : memref<128x64xf32, #tpu.memory_space<vmem>>[vector<16xi32>, vector<16xi32>], vector<16xf32>,
        %parallel_loop3A_145 = arith.constant 0 : i32
        %parallel_loop3A_146 = arith.constant 1 : i32
        %parallel_loop3A_147 = arith.index_cast %parallel_loop3A_145 : i32 to index
        %parallel_loop3A_148 = arith.index_cast %parallel_loop3A_146 : i32 to index
        %parallel_loop3A_149 = arith.index_cast %parallel_loop3A_118 : i32 to index
        %parallel_loop3A_150 = arith.constant 0 : index
        %parallel_loop3A_151 = tpu.vector_load %arg12[%parallel_loop3A_147, %parallel_loop3A_148, %parallel_loop3A_149, %parallel_loop3A_150] {strides = array<i32>} : memref<2x4x64x16xf32, #tpu.memory_space<vmem>>, vector<16xf32>,
        %parallel_loop3A_152 = arith.addf %parallel_loop3A_144, %parallel_loop3A_151 : vector<16xf32>
        tpu.vector_store_idx %arg10[%and3A_32, %parallel_loop3A_143], %parallel_loop3A_152 : memref<64x128xf32, #tpu.memory_space<vmem>>[vector<16xi32>, vector<16xi32>], vector<16xf32>,
        %parallel_loop3A_153 = vector.broadcast %parallel_loop3A_118 : i32 to vector<16xi32>
        %parallel_loop3A_154 = arith.addi %and3A_41, %parallel_loop3A_153 : vector<16xi32>
        %parallel_loop3A_155 = arith.constant 63 : i32
        %parallel_loop3A_156 = vector.broadcast %parallel_loop3A_155 : i32 to vector<16xi32>
        %parallel_loop3A_157 = arith.andi %parallel_loop3A_154, %parallel_loop3A_156 : vector<16xi32>
        %parallel_loop3A_158 = arith.constant 0 : i32
        %parallel_loop3A_159 = vector.broadcast %parallel_loop3A_158 : i32 to vector<16xi32>
        %parallel_loop3A_160 = arith.addi %parallel_loop3A_157, %parallel_loop3A_159 : vector<16xi32>
        %parallel_loop3A_161 = tpu.vector_load_idx %arg8[%parallel_loop3A_160, %and3A_41] : memref<128x64xf32, #tpu.memory_space<vmem>>[vector<16xi32>, vector<16xi32>], vector<16xf32>,
        %parallel_loop3A_162 = arith.constant 0 : i32
        %parallel_loop3A_163 = arith.constant 2 : i32
        %parallel_loop3A_164 = arith.index_cast %parallel_loop3A_162 : i32 to index
        %parallel_loop3A_165 = arith.index_cast %parallel_loop3A_163 : i32 to index
        %parallel_loop3A_166 = arith.index_cast %parallel_loop3A_118 : i32 to index
        %parallel_loop3A_167 = arith.constant 0 : index
        %parallel_loop3A_168 = tpu.vector_load %arg12[%parallel_loop3A_164, %parallel_loop3A_165, %parallel_loop3A_166, %parallel_loop3A_167] {strides = array<i32>} : memref<2x4x64x16xf32, #tpu.memory_space<vmem>>, vector<16xf32>,
        %parallel_loop3A_169 = arith.addf %parallel_loop3A_161, %parallel_loop3A_168 : vector<16xf32>
        tpu.vector_store_idx %arg10[%and3A_41, %parallel_loop3A_160], %parallel_loop3A_169 : memref<64x128xf32, #tpu.memory_space<vmem>>[vector<16xi32>, vector<16xi32>], vector<16xf32>,
        %parallel_loop3A_170 = vector.broadcast %parallel_loop3A_118 : i32 to vector<16xi32>
        %parallel_loop3A_171 = arith.addi %and3A_50, %parallel_loop3A_170 : vector<16xi32>
        %parallel_loop3A_172 = arith.constant 63 : i32
        %parallel_loop3A_173 = vector.broadcast %parallel_loop3A_172 : i32 to vector<16xi32>
        %parallel_loop3A_174 = arith.andi %parallel_loop3A_171, %parallel_loop3A_173 : vector<16xi32>
        %parallel_loop3A_175 = arith.constant 0 : i32
        %parallel_loop3A_176 = vector.broadcast %parallel_loop3A_175 : i32 to vector<16xi32>
        %parallel_loop3A_177 = arith.addi %parallel_loop3A_174, %parallel_loop3A_176 : vector<16xi32>
        %parallel_loop3A_178 = tpu.vector_load_idx %arg8[%parallel_loop3A_177, %and3A_50] : memref<128x64xf32, #tpu.memory_space<vmem>>[vector<16xi32>, vector<16xi32>], vector<16xf32>,
        %parallel_loop3A_179 = arith.constant 0 : i32
        %parallel_loop3A_180 = arith.constant 3 : i32
        %parallel_loop3A_181 = arith.index_cast %parallel_loop3A_179 : i32 to index
        %parallel_loop3A_182 = arith.index_cast %parallel_loop3A_180 : i32 to index
        %parallel_loop3A_183 = arith.index_cast %parallel_loop3A_118 : i32 to index
        %parallel_loop3A_184 = arith.constant 0 : index
        %parallel_loop3A_185 = tpu.vector_load %arg12[%parallel_loop3A_181, %parallel_loop3A_182, %parallel_loop3A_183, %parallel_loop3A_184] {strides = array<i32>} : memref<2x4x64x16xf32, #tpu.memory_space<vmem>>, vector<16xf32>,
        %parallel_loop3A_186 = arith.addf %parallel_loop3A_178, %parallel_loop3A_185 : vector<16xf32>
        tpu.vector_store_idx %arg10[%and3A_50, %parallel_loop3A_177], %parallel_loop3A_186 : memref<64x128xf32, #tpu.memory_space<vmem>>[vector<16xi32>, vector<16xi32>], vector<16xf32>,
        %parallel_loop3A_187 = vector.broadcast %parallel_loop3A_118 : i32 to vector<16xi32>
        %parallel_loop3A_188 = arith.addi %and3A_23, %parallel_loop3A_187 : vector<16xi32>
        %parallel_loop3A_189 = arith.constant 63 : i32
        %parallel_loop3A_190 = vector.broadcast %parallel_loop3A_189 : i32 to vector<16xi32>
        %parallel_loop3A_191 = arith.andi %parallel_loop3A_188, %parallel_loop3A_190 : vector<16xi32>
        %parallel_loop3A_192 = arith.constant 64 : i32
        %parallel_loop3A_193 = vector.broadcast %parallel_loop3A_192 : i32 to vector<16xi32>
        %parallel_loop3A_194 = arith.addi %parallel_loop3A_191, %parallel_loop3A_193 : vector<16xi32>
        %parallel_loop3A_195 = tpu.vector_load_idx %arg8[%parallel_loop3A_194, %and3A_23] : memref<128x64xf32, #tpu.memory_space<vmem>>[vector<16xi32>, vector<16xi32>], vector<16xf32>,
        %parallel_loop3A_196 = arith.constant 1 : i32
        %parallel_loop3A_197 = arith.constant 0 : i32
        %parallel_loop3A_198 = arith.index_cast %parallel_loop3A_196 : i32 to index
        %parallel_loop3A_199 = arith.index_cast %parallel_loop3A_197 : i32 to index
        %parallel_loop3A_200 = arith.index_cast %parallel_loop3A_118 : i32 to index
        %parallel_loop3A_201 = arith.constant 0 : index
        %parallel_loop3A_202 = tpu.vector_load %arg12[%parallel_loop3A_198, %parallel_loop3A_199, %parallel_loop3A_200, %parallel_loop3A_201] {strides = array<i32>} : memref<2x4x64x16xf32, #tpu.memory_space<vmem>>, vector<16xf32>,
        %parallel_loop3A_203 = arith.addf %parallel_loop3A_195, %parallel_loop3A_202 : vector<16xf32>
        tpu.vector_store_idx %arg10[%and3A_23, %parallel_loop3A_194], %parallel_loop3A_203 : memref<64x128xf32, #tpu.memory_space<vmem>>[vector<16xi32>, vector<16xi32>], vector<16xf32>,
        %parallel_loop3A_204 = vector.broadcast %parallel_loop3A_118 : i32 to vector<16xi32>
        %parallel_loop3A_205 = arith.addi %and3A_32, %parallel_loop3A_204 : vector<16xi32>
        %parallel_loop3A_206 = arith.constant 63 : i32
        %parallel_loop3A_207 = vector.broadcast %parallel_loop3A_206 : i32 to vector<16xi32>
        %parallel_loop3A_208 = arith.andi %parallel_loop3A_205, %parallel_loop3A_207 : vector<16xi32>
        %parallel_loop3A_209 = arith.constant 64 : i32
        %parallel_loop3A_210 = vector.broadcast %parallel_loop3A_209 : i32 to vector<16xi32>
        %parallel_loop3A_211 = arith.addi %parallel_loop3A_208, %parallel_loop3A_210 : vector<16xi32>
        %parallel_loop3A_212 = tpu.vector_load_idx %arg8[%parallel_loop3A_211, %and3A_32] : memref<128x64xf32, #tpu.memory_space<vmem>>[vector<16xi32>, vector<16xi32>], vector<16xf32>,
        %parallel_loop3A_213 = arith.constant 1 : i32
        %parallel_loop3A_214 = arith.constant 1 : i32
        %parallel_loop3A_215 = arith.index_cast %parallel_loop3A_213 : i32 to index
        %parallel_loop3A_216 = arith.index_cast %parallel_loop3A_214 : i32 to index
        %parallel_loop3A_217 = arith.index_cast %parallel_loop3A_118 : i32 to index
        %parallel_loop3A_218 = arith.constant 0 : index
        %parallel_loop3A_219 = tpu.vector_load %arg12[%parallel_loop3A_215, %parallel_loop3A_216, %parallel_loop3A_217, %parallel_loop3A_218] {strides = array<i32>} : memref<2x4x64x16xf32, #tpu.memory_space<vmem>>, vector<16xf32>,
        %parallel_loop3A_220 = arith.addf %parallel_loop3A_212, %parallel_loop3A_219 : vector<16xf32>
        tpu.vector_store_idx %arg10[%and3A_32, %parallel_loop3A_211], %parallel_loop3A_220 : memref<64x128xf32, #tpu.memory_space<vmem>>[vector<16xi32>, vector<16xi32>], vector<16xf32>,
        %parallel_loop3A_221 = vector.broadcast %parallel_loop3A_118 : i32 to vector<16xi32>
        %parallel_loop3A_222 = arith.addi %and3A_41, %parallel_loop3A_221 : vector<16xi32>
        %parallel_loop3A_223 = arith.constant 63 : i32
        %parallel_loop3A_224 = vector.broadcast %parallel_loop3A_223 : i32 to vector<16xi32>
        %parallel_loop3A_225 = arith.andi %parallel_loop3A_222, %parallel_loop3A_224 : vector<16xi32>
        %parallel_loop3A_226 = arith.constant 64 : i32
        %parallel_loop3A_227 = vector.broadcast %parallel_loop3A_226 : i32 to vector<16xi32>
        %parallel_loop3A_228 = arith.addi %parallel_loop3A_225, %parallel_loop3A_227 : vector<16xi32>
        %parallel_loop3A_229 = tpu.vector_load_idx %arg8[%parallel_loop3A_228, %and3A_41] : memref<128x64xf32, #tpu.memory_space<vmem>>[vector<16xi32>, vector<16xi32>], vector<16xf32>,
        %parallel_loop3A_230 = arith.constant 1 : i32
        %parallel_loop3A_231 = arith.constant 2 : i32
        %parallel_loop3A_232 = arith.index_cast %parallel_loop3A_230 : i32 to index
        %parallel_loop3A_233 = arith.index_cast %parallel_loop3A_231 : i32 to index
        %parallel_loop3A_234 = arith.index_cast %parallel_loop3A_118 : i32 to index
        %parallel_loop3A_235 = arith.constant 0 : index
        %parallel_loop3A_236 = tpu.vector_load %arg12[%parallel_loop3A_232, %parallel_loop3A_233, %parallel_loop3A_234, %parallel_loop3A_235] {strides = array<i32>} : memref<2x4x64x16xf32, #tpu.memory_space<vmem>>, vector<16xf32>,
        %parallel_loop3A_237 = arith.addf %parallel_loop3A_229, %parallel_loop3A_236 : vector<16xf32>
        tpu.vector_store_idx %arg10[%and3A_41, %parallel_loop3A_228], %parallel_loop3A_237 : memref<64x128xf32, #tpu.memory_space<vmem>>[vector<16xi32>, vector<16xi32>], vector<16xf32>,
        %parallel_loop3A_238 = vector.broadcast %parallel_loop3A_118 : i32 to vector<16xi32>
        %parallel_loop3A_239 = arith.addi %and3A_50, %parallel_loop3A_238 : vector<16xi32>
        %parallel_loop3A_240 = arith.constant 63 : i32
        %parallel_loop3A_241 = vector.broadcast %parallel_loop3A_240 : i32 to vector<16xi32>
        %parallel_loop3A_242 = arith.andi %parallel_loop3A_239, %parallel_loop3A_241 : vector<16xi32>
        %parallel_loop3A_243 = arith.constant 64 : i32
        %parallel_loop3A_244 = vector.broadcast %parallel_loop3A_243 : i32 to vector<16xi32>
        %parallel_loop3A_245 = arith.addi %parallel_loop3A_242, %parallel_loop3A_244 : vector<16xi32>
        %parallel_loop3A_246 = tpu.vector_load_idx %arg8[%parallel_loop3A_245, %and3A_50] : memref<128x64xf32, #tpu.memory_space<vmem>>[vector<16xi32>, vector<16xi32>], vector<16xf32>,
        %parallel_loop3A_247 = arith.constant 1 : i32
        %parallel_loop3A_248 = arith.constant 3 : i32
        %parallel_loop3A_249 = arith.index_cast %parallel_loop3A_247 : i32 to index
        %parallel_loop3A_250 = arith.index_cast %parallel_loop3A_248 : i32 to index
        %parallel_loop3A_251 = arith.index_cast %parallel_loop3A_118 : i32 to index
        %parallel_loop3A_252 = arith.constant 0 : index
        %parallel_loop3A_253 = tpu.vector_load %arg12[%parallel_loop3A_249, %parallel_loop3A_250, %parallel_loop3A_251, %parallel_loop3A_252] {strides = array<i32>} : memref<2x4x64x16xf32, #tpu.memory_space<vmem>>, vector<16xf32>,
        %parallel_loop3A_254 = arith.addf %parallel_loop3A_246, %parallel_loop3A_253 : vector<16xf32>
        tpu.vector_store_idx %arg10[%and3A_50, %parallel_loop3A_245], %parallel_loop3A_254 : memref<64x128xf32, #tpu.memory_space<vmem>>[vector<16xi32>, vector<16xi32>], vector<16xf32>,
      } {sc.loop_unroll_factor = 2 : i64, sc.parallel_access}
      %add3A_86 = arith.addi %mul3A_2, %mul3A_77 : i32
      "tpu.region"() ({
        %run_scoped3A = tpu.sem_alloc : memref<!tpu.dma_semaphore, #tpu.memory_space<semaphore_mem>>
        %dma_start3A_118 = arith.constant 0 : i32
        %dma_start3A_119 = arith.constant 0 : i32
        %dma_start3A_120 = tpu.memref_slice %arg5[%add3A_86, %dma_start3A_118, %dma_start3A_119] : memref<4096x64x128xf32, #tpu.memory_space<hbm>> -> memref<1x64x128xf32, #tpu.memory_space<hbm>>
        %dma_start3A_121 = tpu.memref_squeeze %dma_start3A_120 : memref<1x64x128xf32, #tpu.memory_space<hbm>> -> memref<64x128xf32, #tpu.memory_space<hbm>>
        %dma_start3A_122 = arith.constant 0 : i32
        %dma_start3A_123 = arith.constant 0 : i32
        %dma_start3A_124 = tpu.memref_slice %arg5[%add3A_86, %dma_start3A_122, %dma_start3A_123] : memref<4096x64x128xf32, #tpu.memory_space<hbm>> -> memref<1x64x128xf32, #tpu.memory_space<hbm>>
        %dma_start3A_125 = tpu.memref_squeeze %dma_start3A_124 : memref<1x64x128xf32, #tpu.memory_space<hbm>> -> memref<64x128xf32, #tpu.memory_space<hbm>>
        tpu.enqueue_dma source(%arg10 : memref<64x128xf32, #tpu.memory_space<vmem>>) target(%dma_start3A_125 : memref<64x128xf32, #tpu.memory_space<hbm>>) target_semaphore(%run_scoped3A : memref<!tpu.dma_semaphore, #tpu.memory_space<semaphore_mem>>)
        %dma_wait3A_126 = arith.constant 0 : i32
        %dma_wait3A_127 = arith.constant 0 : i32
        %dma_wait3A_128 = tpu.memref_slice %arg5[%add3A_86, %dma_wait3A_126, %dma_wait3A_127] : memref<4096x64x128xf32, #tpu.memory_space<hbm>> -> memref<1x64x128xf32, #tpu.memory_space<hbm>>
        %dma_wait3A_129 = tpu.memref_squeeze %dma_wait3A_128 : memref<1x64x128xf32, #tpu.memory_space<hbm>> -> memref<64x128xf32, #tpu.memory_space<hbm>>
        %dma_wait3A_130 = arith.constant 0 : i32
        %dma_wait3A_131 = arith.constant 0 : i32
        %dma_wait3A_132 = tpu.memref_slice %arg5[%add3A_86, %dma_wait3A_130, %dma_wait3A_131] : memref<4096x64x128xf32, #tpu.memory_space<hbm>> -> memref<1x64x128xf32, #tpu.memory_space<hbm>>
        %dma_wait3A_133 = tpu.memref_squeeze %dma_wait3A_132 : memref<1x64x128xf32, #tpu.memory_space<hbm>> -> memref<64x128xf32, #tpu.memory_space<hbm>>
        tpu.wait_dma2 semaphore(%run_scoped3A : memref<!tpu.dma_semaphore, #tpu.memory_space<semaphore_mem>>) src(%arg10 : memref<64x128xf32, #tpu.memory_space<vmem>>) dst(%dma_wait3A_133 : memref<64x128xf32, #tpu.memory_space<hbm>>)
        tpu.yield
      }) : () -> ()
      %add3A_87 = arith.constant 2 : i32
      %add3A_88 = arith.addi %mul3A_77, %add3A_87 : i32
      %rem3A = arith.constant 128 : i32
      %rem3A_89 = arith.remsi %add3A_88, %rem3A : i32
      %dma_start3A_90 = arith.constant 0 : i32
      %dma_start3A_91 = tpu.memref_slice %arg6[%rem3A_89, %dma_start3A_90] : memref<128x128xi32, #tpu.memory_space<vmem>> -> memref<1x128xi32, #tpu.memory_space<vmem>>
      %dma_start3A_92 = tpu.memref_squeeze %dma_start3A_91 : memref<1x128xi32, #tpu.memory_space<vmem>> -> memref<128xi32, #tpu.memory_space<vmem>>
      %dma_start3A_93 = arith.constant 0 : i32
      %dma_start3A_94 = arith.constant 0 : i32
      %dma_start3A_95 = tpu.memref_slice %arg3[%dma_start3A_93, %dma_start3A_94] : memref<1000000x64xf32, #tpu.memory_space<hbm>> -> memref<1000000x64xf32, #tpu.memory_space<hbm>>
      tpu.enqueue_indirect_dma source(%dma_start3A_95 : memref<1000000x64xf32, #tpu.memory_space<hbm>>) target(%arg8 : memref<128x64xf32, #tpu.memory_space<vmem>>) offsets(%dma_start3A_92 : memref<128xi32, #tpu.memory_space<vmem>>) semaphore(%arg13 : memref<!tpu.dma_semaphore, #tpu.memory_space<semaphore_mem>>)
      %add3A_96 = arith.constant 1 : i32
      %add3A_97 = arith.addi %mul3A_77, %add3A_96 : i32
      %dma_wait3A_98 = arith.constant 0 : i32
      %dma_wait3A_99 = tpu.memref_slice %arg6[%add3A_97, %dma_wait3A_98] : memref<128x128xi32, #tpu.memory_space<vmem>> -> memref<1x128xi32, #tpu.memory_space<vmem>>
      %dma_wait3A_100 = tpu.memref_squeeze %dma_wait3A_99 : memref<1x128xi32, #tpu.memory_space<vmem>> -> memref<128xi32, #tpu.memory_space<vmem>>
      %dma_wait3A_101 = arith.constant 0 : i32
      %dma_wait3A_102 = arith.constant 0 : i32
      %dma_wait3A_103 = tpu.memref_slice %arg3[%dma_wait3A_101, %dma_wait3A_102] : memref<1000000x64xf32, #tpu.memory_space<hbm>> -> memref<1000000x64xf32, #tpu.memory_space<hbm>>
      tpu.wait_indirect_dma semaphore(%arg14 : memref<!tpu.dma_semaphore, #tpu.memory_space<semaphore_mem>>) src(%dma_wait3A_103 : memref<1000000x64xf32, #tpu.memory_space<hbm>>) dst(%arg9 : memref<128x64xf32, #tpu.memory_space<vmem>>)
      %parallel_loop3A_104 = arith.constant 0 : i32
      %parallel_loop3A_105 = arith.constant 64 : i32
      %parallel_loop3A_106 = arith.constant 1 : i32
      scf.for %parallel_loop3A_118 = %parallel_loop3A_104 to %parallel_loop3A_105 step %parallel_loop3A_106  : i32 {
        %parallel_loop3A_119 = vector.broadcast %parallel_loop3A_118 : i32 to vector<16xi32>
        %parallel_loop3A_120 = arith.addi %and3A_23, %parallel_loop3A_119 : vector<16xi32>
        %parallel_loop3A_121 = arith.constant 63 : i32
        %parallel_loop3A_122 = vector.broadcast %parallel_loop3A_121 : i32 to vector<16xi32>
        %parallel_loop3A_123 = arith.andi %parallel_loop3A_120, %parallel_loop3A_122 : vector<16xi32>
        %parallel_loop3A_124 = arith.constant 0 : i32
        %parallel_loop3A_125 = vector.broadcast %parallel_loop3A_124 : i32 to vector<16xi32>
        %parallel_loop3A_126 = arith.addi %parallel_loop3A_123, %parallel_loop3A_125 : vector<16xi32>
        %parallel_loop3A_127 = tpu.vector_load_idx %arg9[%parallel_loop3A_126, %and3A_23] : memref<128x64xf32, #tpu.memory_space<vmem>>[vector<16xi32>, vector<16xi32>], vector<16xf32>,
        %parallel_loop3A_128 = arith.constant 0 : i32
        %parallel_loop3A_129 = arith.constant 0 : i32
        %parallel_loop3A_130 = arith.index_cast %parallel_loop3A_128 : i32 to index
        %parallel_loop3A_131 = arith.index_cast %parallel_loop3A_129 : i32 to index
        %parallel_loop3A_132 = arith.index_cast %parallel_loop3A_118 : i32 to index
        %parallel_loop3A_133 = arith.constant 0 : index
        %parallel_loop3A_134 = tpu.vector_load %arg12[%parallel_loop3A_130, %parallel_loop3A_131, %parallel_loop3A_132, %parallel_loop3A_133] {strides = array<i32>} : memref<2x4x64x16xf32, #tpu.memory_space<vmem>>, vector<16xf32>,
        %parallel_loop3A_135 = arith.addf %parallel_loop3A_127, %parallel_loop3A_134 : vector<16xf32>
        tpu.vector_store_idx %arg11[%and3A_23, %parallel_loop3A_126], %parallel_loop3A_135 : memref<64x128xf32, #tpu.memory_space<vmem>>[vector<16xi32>, vector<16xi32>], vector<16xf32>,
        %parallel_loop3A_136 = vector.broadcast %parallel_loop3A_118 : i32 to vector<16xi32>
        %parallel_loop3A_137 = arith.addi %and3A_32, %parallel_loop3A_136 : vector<16xi32>
        %parallel_loop3A_138 = arith.constant 63 : i32
        %parallel_loop3A_139 = vector.broadcast %parallel_loop3A_138 : i32 to vector<16xi32>
        %parallel_loop3A_140 = arith.andi %parallel_loop3A_137, %parallel_loop3A_139 : vector<16xi32>
        %parallel_loop3A_141 = arith.constant 0 : i32
        %parallel_loop3A_142 = vector.broadcast %parallel_loop3A_141 : i32 to vector<16xi32>
        %parallel_loop3A_143 = arith.addi %parallel_loop3A_140, %parallel_loop3A_142 : vector<16xi32>
        %parallel_loop3A_144 = tpu.vector_load_idx %arg9[%parallel_loop3A_143, %and3A_32] : memref<128x64xf32, #tpu.memory_space<vmem>>[vector<16xi32>, vector<16xi32>], vector<16xf32>,
        %parallel_loop3A_145 = arith.constant 0 : i32
        %parallel_loop3A_146 = arith.constant 1 : i32
        %parallel_loop3A_147 = arith.index_cast %parallel_loop3A_145 : i32 to index
        %parallel_loop3A_148 = arith.index_cast %parallel_loop3A_146 : i32 to index
        %parallel_loop3A_149 = arith.index_cast %parallel_loop3A_118 : i32 to index
        %parallel_loop3A_150 = arith.constant 0 : index
        %parallel_loop3A_151 = tpu.vector_load %arg12[%parallel_loop3A_147, %parallel_loop3A_148, %parallel_loop3A_149, %parallel_loop3A_150] {strides = array<i32>} : memref<2x4x64x16xf32, #tpu.memory_space<vmem>>, vector<16xf32>,
        %parallel_loop3A_152 = arith.addf %parallel_loop3A_144, %parallel_loop3A_151 : vector<16xf32>
        tpu.vector_store_idx %arg11[%and3A_32, %parallel_loop3A_143], %parallel_loop3A_152 : memref<64x128xf32, #tpu.memory_space<vmem>>[vector<16xi32>, vector<16xi32>], vector<16xf32>,
        %parallel_loop3A_153 = vector.broadcast %parallel_loop3A_118 : i32 to vector<16xi32>
        %parallel_loop3A_154 = arith.addi %and3A_41, %parallel_loop3A_153 : vector<16xi32>
        %parallel_loop3A_155 = arith.constant 63 : i32
        %parallel_loop3A_156 = vector.broadcast %parallel_loop3A_155 : i32 to vector<16xi32>
        %parallel_loop3A_157 = arith.andi %parallel_loop3A_154, %parallel_loop3A_156 : vector<16xi32>
        %parallel_loop3A_158 = arith.constant 0 : i32
        %parallel_loop3A_159 = vector.broadcast %parallel_loop3A_158 : i32 to vector<16xi32>
        %parallel_loop3A_160 = arith.addi %parallel_loop3A_157, %parallel_loop3A_159 : vector<16xi32>
        %parallel_loop3A_161 = tpu.vector_load_idx %arg9[%parallel_loop3A_160, %and3A_41] : memref<128x64xf32, #tpu.memory_space<vmem>>[vector<16xi32>, vector<16xi32>], vector<16xf32>,
        %parallel_loop3A_162 = arith.constant 0 : i32
        %parallel_loop3A_163 = arith.constant 2 : i32
        %parallel_loop3A_164 = arith.index_cast %parallel_loop3A_162 : i32 to index
        %parallel_loop3A_165 = arith.index_cast %parallel_loop3A_163 : i32 to index
        %parallel_loop3A_166 = arith.index_cast %parallel_loop3A_118 : i32 to index
        %parallel_loop3A_167 = arith.constant 0 : index
        %parallel_loop3A_168 = tpu.vector_load %arg12[%parallel_loop3A_164, %parallel_loop3A_165, %parallel_loop3A_166, %parallel_loop3A_167] {strides = array<i32>} : memref<2x4x64x16xf32, #tpu.memory_space<vmem>>, vector<16xf32>,
        %parallel_loop3A_169 = arith.addf %parallel_loop3A_161, %parallel_loop3A_168 : vector<16xf32>
        tpu.vector_store_idx %arg11[%and3A_41, %parallel_loop3A_160], %parallel_loop3A_169 : memref<64x128xf32, #tpu.memory_space<vmem>>[vector<16xi32>, vector<16xi32>], vector<16xf32>,
        %parallel_loop3A_170 = vector.broadcast %parallel_loop3A_118 : i32 to vector<16xi32>
        %parallel_loop3A_171 = arith.addi %and3A_50, %parallel_loop3A_170 : vector<16xi32>
        %parallel_loop3A_172 = arith.constant 63 : i32
        %parallel_loop3A_173 = vector.broadcast %parallel_loop3A_172 : i32 to vector<16xi32>
        %parallel_loop3A_174 = arith.andi %parallel_loop3A_171, %parallel_loop3A_173 : vector<16xi32>
        %parallel_loop3A_175 = arith.constant 0 : i32
        %parallel_loop3A_176 = vector.broadcast %parallel_loop3A_175 : i32 to vector<16xi32>
        %parallel_loop3A_177 = arith.addi %parallel_loop3A_174, %parallel_loop3A_176 : vector<16xi32>
        %parallel_loop3A_178 = tpu.vector_load_idx %arg9[%parallel_loop3A_177, %and3A_50] : memref<128x64xf32, #tpu.memory_space<vmem>>[vector<16xi32>, vector<16xi32>], vector<16xf32>,
        %parallel_loop3A_179 = arith.constant 0 : i32
        %parallel_loop3A_180 = arith.constant 3 : i32
        %parallel_loop3A_181 = arith.index_cast %parallel_loop3A_179 : i32 to index
        %parallel_loop3A_182 = arith.index_cast %parallel_loop3A_180 : i32 to index
        %parallel_loop3A_183 = arith.index_cast %parallel_loop3A_118 : i32 to index
        %parallel_loop3A_184 = arith.constant 0 : index
        %parallel_loop3A_185 = tpu.vector_load %arg12[%parallel_loop3A_181, %parallel_loop3A_182, %parallel_loop3A_183, %parallel_loop3A_184] {strides = array<i32>} : memref<2x4x64x16xf32, #tpu.memory_space<vmem>>, vector<16xf32>,
        %parallel_loop3A_186 = arith.addf %parallel_loop3A_178, %parallel_loop3A_185 : vector<16xf32>
        tpu.vector_store_idx %arg11[%and3A_50, %parallel_loop3A_177], %parallel_loop3A_186 : memref<64x128xf32, #tpu.memory_space<vmem>>[vector<16xi32>, vector<16xi32>], vector<16xf32>,
        %parallel_loop3A_187 = vector.broadcast %parallel_loop3A_118 : i32 to vector<16xi32>
        %parallel_loop3A_188 = arith.addi %and3A_23, %parallel_loop3A_187 : vector<16xi32>
        %parallel_loop3A_189 = arith.constant 63 : i32
        %parallel_loop3A_190 = vector.broadcast %parallel_loop3A_189 : i32 to vector<16xi32>
        %parallel_loop3A_191 = arith.andi %parallel_loop3A_188, %parallel_loop3A_190 : vector<16xi32>
        %parallel_loop3A_192 = arith.constant 64 : i32
        %parallel_loop3A_193 = vector.broadcast %parallel_loop3A_192 : i32 to vector<16xi32>
        %parallel_loop3A_194 = arith.addi %parallel_loop3A_191, %parallel_loop3A_193 : vector<16xi32>
        %parallel_loop3A_195 = tpu.vector_load_idx %arg9[%parallel_loop3A_194, %and3A_23] : memref<128x64xf32, #tpu.memory_space<vmem>>[vector<16xi32>, vector<16xi32>], vector<16xf32>,
        %parallel_loop3A_196 = arith.constant 1 : i32
        %parallel_loop3A_197 = arith.constant 0 : i32
        %parallel_loop3A_198 = arith.index_cast %parallel_loop3A_196 : i32 to index
        %parallel_loop3A_199 = arith.index_cast %parallel_loop3A_197 : i32 to index
        %parallel_loop3A_200 = arith.index_cast %parallel_loop3A_118 : i32 to index
        %parallel_loop3A_201 = arith.constant 0 : index
        %parallel_loop3A_202 = tpu.vector_load %arg12[%parallel_loop3A_198, %parallel_loop3A_199, %parallel_loop3A_200, %parallel_loop3A_201] {strides = array<i32>} : memref<2x4x64x16xf32, #tpu.memory_space<vmem>>, vector<16xf32>,
        %parallel_loop3A_203 = arith.addf %parallel_loop3A_195, %parallel_loop3A_202 : vector<16xf32>
        tpu.vector_store_idx %arg11[%and3A_23, %parallel_loop3A_194], %parallel_loop3A_203 : memref<64x128xf32, #tpu.memory_space<vmem>>[vector<16xi32>, vector<16xi32>], vector<16xf32>,
        %parallel_loop3A_204 = vector.broadcast %parallel_loop3A_118 : i32 to vector<16xi32>
        %parallel_loop3A_205 = arith.addi %and3A_32, %parallel_loop3A_204 : vector<16xi32>
        %parallel_loop3A_206 = arith.constant 63 : i32
        %parallel_loop3A_207 = vector.broadcast %parallel_loop3A_206 : i32 to vector<16xi32>
        %parallel_loop3A_208 = arith.andi %parallel_loop3A_205, %parallel_loop3A_207 : vector<16xi32>
        %parallel_loop3A_209 = arith.constant 64 : i32
        %parallel_loop3A_210 = vector.broadcast %parallel_loop3A_209 : i32 to vector<16xi32>
        %parallel_loop3A_211 = arith.addi %parallel_loop3A_208, %parallel_loop3A_210 : vector<16xi32>
        %parallel_loop3A_212 = tpu.vector_load_idx %arg9[%parallel_loop3A_211, %and3A_32] : memref<128x64xf32, #tpu.memory_space<vmem>>[vector<16xi32>, vector<16xi32>], vector<16xf32>,
        %parallel_loop3A_213 = arith.constant 1 : i32
        %parallel_loop3A_214 = arith.constant 1 : i32
        %parallel_loop3A_215 = arith.index_cast %parallel_loop3A_213 : i32 to index
        %parallel_loop3A_216 = arith.index_cast %parallel_loop3A_214 : i32 to index
        %parallel_loop3A_217 = arith.index_cast %parallel_loop3A_118 : i32 to index
        %parallel_loop3A_218 = arith.constant 0 : index
        %parallel_loop3A_219 = tpu.vector_load %arg12[%parallel_loop3A_215, %parallel_loop3A_216, %parallel_loop3A_217, %parallel_loop3A_218] {strides = array<i32>} : memref<2x4x64x16xf32, #tpu.memory_space<vmem>>, vector<16xf32>,
        %parallel_loop3A_220 = arith.addf %parallel_loop3A_212, %parallel_loop3A_219 : vector<16xf32>
        tpu.vector_store_idx %arg11[%and3A_32, %parallel_loop3A_211], %parallel_loop3A_220 : memref<64x128xf32, #tpu.memory_space<vmem>>[vector<16xi32>, vector<16xi32>], vector<16xf32>,
        %parallel_loop3A_221 = vector.broadcast %parallel_loop3A_118 : i32 to vector<16xi32>
        %parallel_loop3A_222 = arith.addi %and3A_41, %parallel_loop3A_221 : vector<16xi32>
        %parallel_loop3A_223 = arith.constant 63 : i32
        %parallel_loop3A_224 = vector.broadcast %parallel_loop3A_223 : i32 to vector<16xi32>
        %parallel_loop3A_225 = arith.andi %parallel_loop3A_222, %parallel_loop3A_224 : vector<16xi32>
        %parallel_loop3A_226 = arith.constant 64 : i32
        %parallel_loop3A_227 = vector.broadcast %parallel_loop3A_226 : i32 to vector<16xi32>
        %parallel_loop3A_228 = arith.addi %parallel_loop3A_225, %parallel_loop3A_227 : vector<16xi32>
        %parallel_loop3A_229 = tpu.vector_load_idx %arg9[%parallel_loop3A_228, %and3A_41] : memref<128x64xf32, #tpu.memory_space<vmem>>[vector<16xi32>, vector<16xi32>], vector<16xf32>,
        %parallel_loop3A_230 = arith.constant 1 : i32
        %parallel_loop3A_231 = arith.constant 2 : i32
        %parallel_loop3A_232 = arith.index_cast %parallel_loop3A_230 : i32 to index
        %parallel_loop3A_233 = arith.index_cast %parallel_loop3A_231 : i32 to index
        %parallel_loop3A_234 = arith.index_cast %parallel_loop3A_118 : i32 to index
        %parallel_loop3A_235 = arith.constant 0 : index
        %parallel_loop3A_236 = tpu.vector_load %arg12[%parallel_loop3A_232, %parallel_loop3A_233, %parallel_loop3A_234, %parallel_loop3A_235] {strides = array<i32>} : memref<2x4x64x16xf32, #tpu.memory_space<vmem>>, vector<16xf32>,
        %parallel_loop3A_237 = arith.addf %parallel_loop3A_229, %parallel_loop3A_236 : vector<16xf32>
        tpu.vector_store_idx %arg11[%and3A_41, %parallel_loop3A_228], %parallel_loop3A_237 : memref<64x128xf32, #tpu.memory_space<vmem>>[vector<16xi32>, vector<16xi32>], vector<16xf32>,
        %parallel_loop3A_238 = vector.broadcast %parallel_loop3A_118 : i32 to vector<16xi32>
        %parallel_loop3A_239 = arith.addi %and3A_50, %parallel_loop3A_238 : vector<16xi32>
        %parallel_loop3A_240 = arith.constant 63 : i32
        %parallel_loop3A_241 = vector.broadcast %parallel_loop3A_240 : i32 to vector<16xi32>
        %parallel_loop3A_242 = arith.andi %parallel_loop3A_239, %parallel_loop3A_241 : vector<16xi32>
        %parallel_loop3A_243 = arith.constant 64 : i32
        %parallel_loop3A_244 = vector.broadcast %parallel_loop3A_243 : i32 to vector<16xi32>
        %parallel_loop3A_245 = arith.addi %parallel_loop3A_242, %parallel_loop3A_244 : vector<16xi32>
        %parallel_loop3A_246 = tpu.vector_load_idx %arg9[%parallel_loop3A_245, %and3A_50] : memref<128x64xf32, #tpu.memory_space<vmem>>[vector<16xi32>, vector<16xi32>], vector<16xf32>,
        %parallel_loop3A_247 = arith.constant 1 : i32
        %parallel_loop3A_248 = arith.constant 3 : i32
        %parallel_loop3A_249 = arith.index_cast %parallel_loop3A_247 : i32 to index
        %parallel_loop3A_250 = arith.index_cast %parallel_loop3A_248 : i32 to index
        %parallel_loop3A_251 = arith.index_cast %parallel_loop3A_118 : i32 to index
        %parallel_loop3A_252 = arith.constant 0 : index
        %parallel_loop3A_253 = tpu.vector_load %arg12[%parallel_loop3A_249, %parallel_loop3A_250, %parallel_loop3A_251, %parallel_loop3A_252] {strides = array<i32>} : memref<2x4x64x16xf32, #tpu.memory_space<vmem>>, vector<16xf32>,
        %parallel_loop3A_254 = arith.addf %parallel_loop3A_246, %parallel_loop3A_253 : vector<16xf32>
        tpu.vector_store_idx %arg11[%and3A_50, %parallel_loop3A_245], %parallel_loop3A_254 : memref<64x128xf32, #tpu.memory_space<vmem>>[vector<16xi32>, vector<16xi32>], vector<16xf32>,
      } {sc.loop_unroll_factor = 2 : i64, sc.parallel_access}
      %add3A_107 = arith.addi %mul3A_2, %add3A_97 : i32
      "tpu.region"() ({
        %run_scoped3A = tpu.sem_alloc : memref<!tpu.dma_semaphore, #tpu.memory_space<semaphore_mem>>
        %dma_start3A_118 = arith.constant 0 : i32
        %dma_start3A_119 = arith.constant 0 : i32
        %dma_start3A_120 = tpu.memref_slice %arg5[%add3A_107, %dma_start3A_118, %dma_start3A_119] : memref<4096x64x128xf32, #tpu.memory_space<hbm>> -> memref<1x64x128xf32, #tpu.memory_space<hbm>>
        %dma_start3A_121 = tpu.memref_squeeze %dma_start3A_120 : memref<1x64x128xf32, #tpu.memory_space<hbm>> -> memref<64x128xf32, #tpu.memory_space<hbm>>
        %dma_start3A_122 = arith.constant 0 : i32
        %dma_start3A_123 = arith.constant 0 : i32
        %dma_start3A_124 = tpu.memref_slice %arg5[%add3A_107, %dma_start3A_122, %dma_start3A_123] : memref<4096x64x128xf32, #tpu.memory_space<hbm>> -> memref<1x64x128xf32, #tpu.memory_space<hbm>>
        %dma_start3A_125 = tpu.memref_squeeze %dma_start3A_124 : memref<1x64x128xf32, #tpu.memory_space<hbm>> -> memref<64x128xf32, #tpu.memory_space<hbm>>
        tpu.enqueue_dma source(%arg11 : memref<64x128xf32, #tpu.memory_space<vmem>>) target(%dma_start3A_125 : memref<64x128xf32, #tpu.memory_space<hbm>>) target_semaphore(%run_scoped3A : memref<!tpu.dma_semaphore, #tpu.memory_space<semaphore_mem>>)
        %dma_wait3A_126 = arith.constant 0 : i32
        %dma_wait3A_127 = arith.constant 0 : i32
        %dma_wait3A_128 = tpu.memref_slice %arg5[%add3A_107, %dma_wait3A_126, %dma_wait3A_127] : memref<4096x64x128xf32, #tpu.memory_space<hbm>> -> memref<1x64x128xf32, #tpu.memory_space<hbm>>
        %dma_wait3A_129 = tpu.memref_squeeze %dma_wait3A_128 : memref<1x64x128xf32, #tpu.memory_space<hbm>> -> memref<64x128xf32, #tpu.memory_space<hbm>>
        %dma_wait3A_130 = arith.constant 0 : i32
        %dma_wait3A_131 = arith.constant 0 : i32
        %dma_wait3A_132 = tpu.memref_slice %arg5[%add3A_107, %dma_wait3A_130, %dma_wait3A_131] : memref<4096x64x128xf32, #tpu.memory_space<hbm>> -> memref<1x64x128xf32, #tpu.memory_space<hbm>>
        %dma_wait3A_133 = tpu.memref_squeeze %dma_wait3A_132 : memref<1x64x128xf32, #tpu.memory_space<hbm>> -> memref<64x128xf32, #tpu.memory_space<hbm>>
        tpu.wait_dma2 semaphore(%run_scoped3A : memref<!tpu.dma_semaphore, #tpu.memory_space<semaphore_mem>>) src(%arg11 : memref<64x128xf32, #tpu.memory_space<vmem>>) dst(%dma_wait3A_133 : memref<64x128xf32, #tpu.memory_space<hbm>>)
        tpu.yield
      }) : () -> ()
      %add3A_108 = arith.constant 3 : i32
      %add3A_109 = arith.addi %mul3A_77, %add3A_108 : i32
      %rem3A_110 = arith.constant 128 : i32
      %rem3A_111 = arith.remsi %add3A_109, %rem3A_110 : i32
      %dma_start3A_112 = arith.constant 0 : i32
      %dma_start3A_113 = tpu.memref_slice %arg6[%rem3A_111, %dma_start3A_112] : memref<128x128xi32, #tpu.memory_space<vmem>> -> memref<1x128xi32, #tpu.memory_space<vmem>>
      %dma_start3A_114 = tpu.memref_squeeze %dma_start3A_113 : memref<1x128xi32, #tpu.memory_space<vmem>> -> memref<128xi32, #tpu.memory_space<vmem>>
      %dma_start3A_115 = arith.constant 0 : i32
      %dma_start3A_116 = arith.constant 0 : i32
      %dma_start3A_117 = tpu.memref_slice %arg3[%dma_start3A_115, %dma_start3A_116] : memref<1000000x64xf32, #tpu.memory_space<hbm>> -> memref<1000000x64xf32, #tpu.memory_space<hbm>>
      tpu.enqueue_indirect_dma source(%dma_start3A_117 : memref<1000000x64xf32, #tpu.memory_space<hbm>>) target(%arg9 : memref<128x64xf32, #tpu.memory_space<vmem>>) offsets(%dma_start3A_114 : memref<128xi32, #tpu.memory_space<vmem>>) semaphore(%arg14 : memref<!tpu.dma_semaphore, #tpu.memory_space<semaphore_mem>>)
    }
    %scan3A_61 = arith.constant 64 : i32
    %dma_wait3A = arith.constant 0 : i32
    %dma_wait3A_62 = arith.constant 0 : i32
    %dma_wait3A_63 = tpu.memref_slice %arg6[%dma_wait3A, %dma_wait3A_62] : memref<128x128xi32, #tpu.memory_space<vmem>> -> memref<1x128xi32, #tpu.memory_space<vmem>>
    %dma_wait3A_64 = tpu.memref_squeeze %dma_wait3A_63 : memref<1x128xi32, #tpu.memory_space<vmem>> -> memref<128xi32, #tpu.memory_space<vmem>>
    %dma_wait3A_65 = arith.constant 0 : i32
    %dma_wait3A_66 = arith.constant 0 : i32
    %dma_wait3A_67 = tpu.memref_slice %arg3[%dma_wait3A_65, %dma_wait3A_66] : memref<1000000x64xf32, #tpu.memory_space<hbm>> -> memref<1000000x64xf32, #tpu.memory_space<hbm>>
    tpu.wait_indirect_dma semaphore(%arg13 : memref<!tpu.dma_semaphore, #tpu.memory_space<semaphore_mem>>) src(%dma_wait3A_67 : memref<1000000x64xf32, #tpu.memory_space<hbm>>) dst(%arg8 : memref<128x64xf32, #tpu.memory_space<vmem>>)
    %dma_wait3A_68 = arith.constant 1 : i32
    %dma_wait3A_69 = arith.constant 0 : i32
    %dma_wait3A_70 = tpu.memref_slice %arg6[%dma_wait3A_68, %dma_wait3A_69] : memref<128x128xi32, #tpu.memory_space<vmem>> -> memref<1x128xi32, #tpu.memory_space<vmem>>
    %dma_wait3A_71 = tpu.memref_squeeze %dma_wait3A_70 : memref<1x128xi32, #tpu.memory_space<vmem>> -> memref<128xi32, #tpu.memory_space<vmem>>
    %dma_wait3A_72 = arith.constant 0 : i32
    %dma_wait3A_73 = arith.constant 0 : i32
    %dma_wait3A_74 = tpu.memref_slice %arg3[%dma_wait3A_72, %dma_wait3A_73] : memref<1000000x64xf32, #tpu.memory_space<hbm>> -> memref<1000000x64xf32, #tpu.memory_space<hbm>>
    tpu.wait_indirect_dma semaphore(%arg14 : memref<!tpu.dma_semaphore, #tpu.memory_space<semaphore_mem>>) src(%dma_wait3A_74 : memref<1000000x64xf32, #tpu.memory_space<hbm>>) dst(%arg9 : memref<128x64xf32, #tpu.memory_space<vmem>>)
    return
  }
}

</mosaic_0001>

<sc_bundles>
// kernel: _sc_embed.3.cloned.1.call-start
scs
__scs_entry_jumppad:
0x0: {  	(pc) =	sbr.rel $0x88, $3  }
0x1: {  	(tag) =	ssettag $0x0;
	lr =	simm.s32 $0x1  }
0x2: {  	[smem:$0x3F9E] =	sst lr;
	_ =	strace $0xD0000000  }
0x3: {  	_ = 	snop  }
0x4: {  	_ = 	snop  }
0x5: {  	_ = 	snop  }
0x6: {  	_ = 	snop  }
0x7: {  	_ = 	snop  }
__scs_overlays_trampoline_lowered:
0x8: {  	[smem:$0x3FAD] =	sst s0  }
0x9: {  	[smem:$0x3FAE] =	sst s1  }
0xa: {  	[smem:$0x3FAF] =	sst s2  }
0xb: {  	[smem:$0x3FB0] =	sst s3  }
0xc: {  	[smem:$0x3FB1] =	sst s4  }
0xd: {  	[smem:$0x3FB2] =	sst s5  }
0xe: {  	[smem:$0x3FB3] =	sst s6  }
0xf: {  	[smem:$0x3FB4] =	sst s7  }
0x10: {  	[smem:$0x3FB5] =	sst s8  }
0x11: {  	[smem:$0x3FB6] =	sst s9;
	s0 =	simm.s32 @!p0 $0x0  }
0x12: {  	s1 =	sld [smem:$0x3F9C];
	s0 =	simm.s32 @p0 $0x1  }
0x13: {  	[smem:$0x3FB7] =	sst s0;
	s0 =	simm.s32 @!p1 $0x0  }
0x14: {  	s2 =	sld [smem:$0x3F9B];
	s0 =	simm.s32 @p1 $0x1  }
0x15: {  	[smem:$0x3FB8] =	sst s0;
	s0 =	simm.s32 @!p2 $0x0  }
0x16: {  	s3 =	sld [smem:$0x3FDB];
	s0 =	simm.s32 @p2 $0x1  }
0x17: {  	s4 =	simm.s32 $0x1BF5;
	[smem:$0x3FBA] =	sst s0  }
0x18: {  	s0 =	sld [smem:$0x3F9D];
	_ =	swait.ge [sflag:s4], $0x0  }
0x19: {  	s7 =	sld [smem:$0x3F9E]  }
0x1a: {  	s8 =	sadd.s32 $0xFFFFE003, lr  }
0x1b: {  	s9 =	sadd.s32 $0xFFFFFEF7, lr;
	s5 =	simm.s32 $0xFFFFFFFF;
	p2 =	slt.u32 s8, $0xFFFFF086  }
0x1c: {  	p1 =	slt.u32 s9, $0xF7A;
	s5 =	simm.s32 @!p2 $0x0  }
0x1d: {  	s5 =	simm.s32 @p1 $0x1;
	p0 =	seq.s32 s7, s2  }
0x1e: {  	s7 =	smul.u32 @!p0 $0xF7A, s2;
	p2 =	seq.s32 @!p0 s5, $0x0  }
0x1f: {  	s9 =	smul.u32 $0xF7A, s1;
	s8 =	simm.s32 @!p0 $0x1BF5;
	p2 =	por !p2, p0  }
0x20: {  	[sflag:s8] =	ssyncset.s32 @!p0 $0xFFFFF086;
	s6 =	sadd.s32 @!p0 s3, s7;
	s7 =	simm.s32 @!p0 $0x108  }
0x21: {  	s3 =	sadd.s32 s3, s9;
	s6 =	sadd.s32 @!p0 $0x88, s6;
	s7 =	simm.s32 @p2 $0x1082  }
0x22: {  	[simem:s7], [sflag:s8] =	dma.local @!p0 [hbm:s6], $0xF7A  }
0x23: {  	s9 =	sor.u32 $0xD0000000, s2;
	s6 =	simm.s32 $0x108;
	_ =	swait.ge @!p0 [sflag:s8], $0x0  }
0x24: {  	s3 =	sadd.s32 $0x88, s3;
	s6 =	simm.s32 @!p1 $0x1082;
	[sflag:s4] =	ssyncset.s32 $0xFFFFF086  }
0x25: {  	[simem:s6], [sflag:s4] =	dma.local [hbm:s3], $0xF7A  }
0x26: {  	[smem:$0x3F9E] =	sst s1;
	(tag) =	ssettag s2;
	_ =	strace s9  }
0x27: {  	s1 =	sld [smem:$0x3FAE]  }
0x28: {  	s2 =	sld [smem:$0x3FAF]  }
0x29: {  	s4 =	sld [smem:$0x3FB1]  }
0x2a: {  	p0 =	seq.s32 s5, $0x0;
	s5 =	sld [smem:$0x3FB2]  }
0x2b: {  	s6 =	sld [smem:$0x3FB3]  }
0x2c: {  	s7 =	sld [smem:$0x3FB4]  }
0x2d: {  	s3 =	simm.s32 $0x108;
	s8 =	sld [smem:$0x3FB5]  }
0x2e: {  	s3 =	simm.s32 @!p0 $0x1082;
	s9 =	sld [smem:$0x3FB6]  }
0x2f: {  	lr =	sadd.s32 s0, s3;
	s0 =	sld [smem:$0x3FAD]  }
0x30: {  	s3 =	sld [smem:$0x3FB0]  }
0x31: {  	[smem:$0x3FB9] =	sst s10  }
0x32: {  	s10 =	sld [smem:$0x3FB7];
	_ =	sdelay $0x3  }
0x33: {  	p0 =	seq.s32 s10, $0x1;
	s10 =	sld [smem:$0x3FB9];
	_ =	sdelay $0x3  }
0x34: {  	[smem:$0x3FB9] =	sst s10  }
0x35: {  	s10 =	sld [smem:$0x3FB8];
	_ =	sdelay $0x3  }
0x36: {  	p1 =	seq.s32 s10, $0x1;
	s10 =	sld [smem:$0x3FB9];
	_ =	sdelay $0x3  }
0x37: {  	[smem:$0x3FB9] =	sst s10  }
0x38: {  	s10 =	sld [smem:$0x3FBA]  }
0x39: {  	_ = 	snop;
	(pc) =	sbr.ind lr, $3  }
0x3a: {  	_ = 	snop  }
0x3b: {  	_ = 	snop  }
0x3c: {  	p2 =	seq.s32 s10, $0x1;
	s10 =	sld [smem:$0x3FB9]  }
0x3d: {  	_ =	shalt  }
0x3e: {  	_ =	shalt  }
0x3f: {  	_ =	shalt  }
0x40: {  	_ =	shalt  }
0x41: {  	_ =	shalt  }
0x42: {  	_ =	shalt  }
0x43: {  	_ =	shalt  }
0x44: {  	_ =	shalt  }
0x45: {  	_ =	shalt  }
0x46: {  	_ =	shalt  }
0x47: {  	_ =	shalt  }
0x48: {  	_ =	shalt  }
0x49: {  	_ =	shalt  }
0x4a: {  	_ =	shalt  }
0x4b: {  	_ =	shalt  }
0x4c: {  	_ =	shalt  }
0x4d: {  	_ =	shalt  }
0x4e: {  	_ =	shalt  }
0x4f: {  	_ =	shalt  }
0x50: {  	_ =	shalt  }
0x51: {  	_ =	shalt  }
0x52: {  	_ =	shalt  }
0x53: {  	_ =	shalt  }
0x54: {  	_ =	shalt  }
0x55: {  	_ =	shalt  }
0x56: {  	_ =	shalt  }
0x57: {  	_ =	shalt  }
0x58: {  	_ =	shalt  }
0x59: {  	_ =	shalt  }
0x5a: {  	_ =	shalt  }
0x5b: {  	_ =	shalt  }
0x5c: {  	_ =	shalt  }
0x5d: {  	_ =	shalt  }
0x5e: {  	_ =	shalt  }
0x5f: {  	_ =	shalt  }
0x60: {  	_ =	shalt  }
0x61: {  	_ =	shalt  }
0x62: {  	_ =	shalt  }
0x63: {  	_ =	shalt  }
0x64: {  	_ =	shalt  }
0x65: {  	_ =	shalt  }
0x66: {  	_ =	shalt  }
0x67: {  	_ =	shalt  }
0x68: {  	_ =	shalt  }
0x69: {  	_ =	shalt  }
0x6a: {  	_ =	shalt  }
0x6b: {  	_ =	shalt  }
0x6c: {  	_ =	shalt  }
0x6d: {  	_ =	shalt  }
0x6e: {  	_ =	shalt  }
0x6f: {  	_ =	shalt  }
0x70: {  	_ =	shalt  }
0x71: {  	_ =	shalt  }
0x72: {  	_ =	shalt  }
0x73: {  	_ =	shalt  }
0x74: {  	_ =	shalt  }
0x75: {  	_ =	shalt  }
0x76: {  	_ =	shalt  }
0x77: {  	_ =	shalt  }
0x78: {  	_ =	shalt  }
0x79: {  	_ =	shalt  }
0x7a: {  	_ =	shalt  }
0x7b: {  	_ =	shalt  }
0x7c: {  	_ =	shalt  }
0x7d: {  	_ =	shalt  }
0x7e: {  	_ =	shalt  }
0x7f: {  	_ =	shalt  }
0x80: {  	_ =	shalt  }
0x81: {  	_ =	shalt  }
0x82: {  	_ =	shalt  }
0x83: {  	_ =	shalt  }
0x84: {  	_ =	shalt  }
0x85: {  	_ =	shalt  }
0x86: {  	_ =	shalt  }
0x87: {  	_ =	shalt  }
.Lfunc_end0:
.L_simem_size_0:
called_computation_lowered:
.L_overlay_start_0:
0x88: {  	s2 =	sld [smem:$0x3FD9]  }
0x89: {  	s3 =	sld [smem:$0x3FFE];
	_ =	sdelay $0x1  }
0x8a: {  	s1 =	srdreg.scid  }
0x8b: {  	s0 =	sand.u32 $0x1, s1  }
0x8c: {  	s17 =	sshll.u32 s0, $0xA;
	s2 =	sadd.s32 s3, s2  }
0x8d: {  	s2 =	sadd.s32 s2, s17  }
0x8e: {  	[smem:$0x3FC5] =	sst s2  }
0x8f: {  	_ = 	snop  }
0x90: {  	s2 =	sld [smem:$0x3FC9]  }
0x91: {  	s18 =	sld [smem:$0x3FC7]  }
0x92: {  	s4 =	sld [smem:$0x3FD0];
	(tm) =	ssettm $0x1  }
0x93: {  	s5 =	sld [smem:$0x3FFB];
	_ =	sdelay $0x3  }
0x94: {  	_ =	strace s5  }
0x95: {  	s5 =	sld [smem:$0x3FFC];
	_ =	sdelay $0x3  }
0x96: {  	_ =	strace s5  }
0x97: {  	s5 =	sld [smem:$0x3FFD];
	_ =	sdelay $0x3  }
0x98: {  	_ =	strace s5  }
0x99: {  	_ =	strace $0x8FFFFFFF  }
0x9a: {  	s19 =	sld [smem:$0x3FDB];
	_ =	sdelay $0x1  }
0x9b: {  	s6 =	simm.s32 $_scs_section_size  }
0x9c: {  	s7 =	simm.s32 $_size__tile_overlayer_lowered;
	s8 =	simm.s32 $_tile_overlayer_lowered  }
0x9d: {  	s22 =	simm.s32 $0x1BFF;
	s21 =	sshll.u32 s8, $0x1;
	s5 =	sadd.s32 s6, s19  }
0x9e: {  	s9 =	simm.s32 $0x0;
	s20 =	sshll.u32 s7, $0x1;
	s7 =	sadd.s32 s21, s5  }
0x9f: {  	[timem:s9], [sflag:s22] =	dma.local [hbm:s7], s20  }
0xa0: {  	_ =	swait.ge [sflag:s22], s20  }
0xa1: {  	s6 =	ssub.s32 $0x0, s20;
	[sflag:s22] =	ssyncset.done $0x0  }
0xa2: {  	[sflag:s22] =	ssyncadd.s32 s6;
	_ =	sdelay $0x1  }
0xa3: {  	s23 =	simm.s32 $0x1B8B  }
0xa4: {  	_ =	swait.ge [sflag:s23], $0x1  }
0xa5: {  	[sflag:s23] =	ssyncset.done $0x0  }
0xa6: {  	s25 =	simm.s32 $0x1B8E;
	s24 =	sld [smem:$0x3FFE];
	[sflag:s23] =	ssyncadd.s32 $0xFFFFFFFF  }
0xa7: {  	s26 =	simm.s32 $execute0_lowered;
	[smem:$0x3FD2] =	sst s25  }
0xa8: {  	s7 =	sshll.u32 s26, $0x1;
	_ =	strace $0x80000046;
	[dreg:$0x1] =	wrdreg $0xFFFFFFFF  }
0xa9: {  	s28 =	simm.s32 $_size_execute0_lowered;
	s5 =	sadd.s32 s5, s7;
	[dreg:$0x0] =	wrdreg $0x0  }
0xaa: {  	s7 =	sshll.u32 s28, $0x1;
	[dreg:$0x2] =	wrdreg s5  }
0xab: {  	[dreg:$0x3] =	wrdreg s7  }
0xac: {  	[dreg:$0x4] =	wrdreg $0xC0  }
0xad: {  	_ =	task [dreg:s9], $0x5FFFF  }
0xae: {  	[dreg:$0x1] =	wrdreg $0xFFFFFFFF  }
0xaf: {  	[dreg:$0x0] =	wrdreg $0x60  }
0xb0: {  	[dreg:$0x2] =	wrdreg s2  }
0xb1: {  	[dreg:$0x3] =	wrdreg s24  }
0xb2: {  	[dreg:$0x4] =	wrdreg s18  }
0xb3: {  	[dreg:$0x5] =	wrdreg s4  }
0xb4: {  	[dreg:$0x6] =	wrdreg $0x9  }
0xb5: {  	_ =	task.clear_ibuf [dreg:s9], $0x7FFFF;
	_ =	strace $0x90000046  }
0xb6: {  	s29 =	simm.s32 $0x9;
	_ =	strace $0x80000048  }
0xb7: {  	_ =	swait.ge [sflag:s29], $0x1  }
0xb8: {  	[sflag:s29] =	ssyncadd.s32 $0xFFFFFFFF  }
0xb9: {  	_ =	strace $0x90000048  }
0xba: {  	_ =	sfence  }
0xbb: {  	s30 =	sld [smem:$0x0];
	_ =	sdelay $0x2  }
0xbc: {  	s31 =	sshll.u32 s1, $0xD;
	s1 =	sshrl.u32 s1, $0x2  }
0xbd: {  	s3 =	sand.u32 $0x4000, s31;
	s1 =	sadd.s32 s1, s30  }
0xbe: {  	s0 =	sor.u32 s3, s0;
	s1 =	sshll.u32 s1, $0x11  }
0xbf: {  	s0 =	sor.u32 s1, s0  }
0xc0: {  	s0 =	sadd.s32 $0x8F2B, s0  }
0xc1: {  	[sflag:s0] =	ssyncadd.remote.s32 $0x1  }
0xc2: {  	_ =	sfence.sel $0xFFFF  }
0xc3: {  	[dreg:$0x0] =	wrdreg $0xFFFFFFFF;
	(pc) =	sbr.abs _section_cstart, $3  }
0xc4: {  	[dreg:$0x1] =	wrdreg $0xFFFFFFFF  }
0xc5: {  	_ =	task.clear_ibuf [dreg:s9], $0x2FFFF;
	_ =	strace $0x9FFFFFFF  }
0xc6: {  	(tm) =	ssettm $0x7FFFFFFF  }
0xc7: {  	_ =	shalt  }
tec
execute0_lowered:
.L_overlay_start_1:
0x0: {  	(tag) =	ssettag $0x1  }
0x1: {  	v0 =	vimm.s32 $0x3B2A1908;
	v1 =	vimm.s32 $0x3F2E1D0C  }
0x2: {  	v2 =	vimm.s32 $0x1F80;
	vm13 =	vcmask $0x300;
	vm14 =	vcmask $0x704  }
0x3: {  	vm15 =	vcmask $0x1F10;
	vm12 =	vcmask $0xB08;
	v3 =	vimm.s32 $0x33221100  }
0x4: {  	vm11 =	vcmask $0xF0C;
	vm10 =	vcmask $0x1310;
	v4 =	vimm.s32 $0x37261504  }
0x5: {  	vm9 =	vcmask $0x1714;
	vm8 =	vcmask $0x1B18;
	vm7 =	vcmask $0x1F1C  }
0x6: {  	vm6 =	vcmask $0x2320;
	vm5 =	vcmask $0x2724;
	v2 =	vsel vm13, $0x0, v2  }
0x7: {  	vm4 =	vcmask $0x2B28;
	vm3 =	vcmask $0x2F2C;
	v2 =	vsel vm14, $0x880, v2  }
0x8: {  	vm2 =	vcmask $0x3330;
	vm0 =	vcmask $0x3734;
	v2 =	vsel vm12, $0x1100, v2  }
0x9: {  	v0 =	vunpack.c.0.s8.s32 v0;
	v1 =	vunpack.c.0.s8.s32 v1;
	v2 =	vsel vm11, $0x1980, v2  }
0xa: {  	v3 =	vunpack.c.0.s8.s32 v3;
	v4 =	vunpack.c.0.s8.s32 v4;
	v2 =	vsel vm10, $0x200, v2  }
0xb: {  	vm1 =	vcmask $0x3B38;
	v0 =	vsel vm15, v1, v0;
	v2 =	vsel vm9, $0xA80, v2  }
0xc: {  	v1 =	vsel vm8, $0x1300, v2;
	v2 =	vsel vm15, v4, v3;
	v3 =	vimm.s32 $0x780  }
0xd: {  	v5 =	vimm.s32 $0x3322110;
	v6 =	vimm.s32 $0x7362514;
	v3 =	vsel vm13, $0x800, v3  }
0xe: {  	v7 =	vimm.s32 $0xF80;
	v8 =	vimm.s32 $0x13023120;
	v3 =	vsel vm14, $0x1080, v3  }
0xf: {  	v9 =	vimm.s32 $0x17063524;
	v5 =	vunpack.c.0.s8.s32 v5;
	v3 =	vsel vm12, $0x1900, v3  }
0x10: {  	v6 =	vunpack.c.0.s8.s32 v6;
	v7 =	vsel vm13, $0x1000, v7;
	v3 =	vsel vm11, $0x180, v3  }
0x11: {  	v8 =	vunpack.c.0.s8.s32 v8;
	v0 =	vcombine.low v2, v0;
	v2 =	vsel vm10, $0xA00, v3  }
0x12: {  	v4 =	vimm.s32 $0xF3E2D1C;
	v1 =	vsel vm7, $0x1B80, v1;
	v2 =	vsel vm9, $0x1280, v2  }
0x13: {  	v4 =	vunpack.c.0.s8.s32 v4;
	v1 =	vsel vm6, $0x400, v1;
	v2 =	vsel vm8, $0x1B00, v2  }
0x14: {  	v1 =	vsel vm5, $0xC80, v1;
	v3 =	vimm.s32 $0xB3A2918;
	v2 =	vsel vm7, $0x380, v2  }
0x15: {  	v1 =	vsel vm4, $0x1500, v1;
	v3 =	vunpack.c.0.s8.s32 v3;
	v2 =	vsel vm6, $0xC00, v2  }
0x16: {  	v5 =	vsel vm15, v6, v5;
	v1 =	vsel vm3, $0x1D80, v1;
	v2 =	vsel vm5, $0x1480, v2  }
0x17: {  	v1 =	vsel vm2, $0x600, v1;
	v3 =	vsel vm15, v4, v3;
	v2 =	vsel vm4, $0x1D00, v2  }
0x18: {  	v4 =	vsel vm14, $0x1880, v7;
	v7 =	vimm.s32 $0x1F0E3D2C;
	v2 =	vsel vm3, $0x580, v2  }
0x19: {  	v6 =	vsel vm2, $0xE00, v2;
	v2 =	vsel vm12, $0x100, v4;
	v4 =	vimm.s32 $0x1B0A3928  }
0x1a: {  	v7 =	vunpack.c.0.s8.s32 v7;
	v2 =	vsel vm11, $0x980, v2;
	v4 =	vunpack.c.0.s8.s32 v4  }
0x1b: {  	v9 =	vunpack.c.0.s8.s32 v9;
	v1 =	vsel vm0, $0xE80, v1;
	v2 =	vsel vm10, $0x1200, v2  }
0x1c: {  	v1 =	vsel vm1, $0x1700, v1;
	v2 =	vsel vm9, $0x1A80, v2;
	v4 =	vsel vm15, v7, v4  }
0x1d: {  	v7 =	vimm.s32 $0x1FC0;
	v10 =	vsel vm8, $0x300, v2;
	v2 =	vcombine.low v5, v3  }
0x1e: {  	v3 =	vsel vm0, $0x1680, v6;
	v6 =	vsel vm15, v9, v8;
	v7 =	vsel vm13, $0x40, v7  }
0x1f: {  	v8 =	vimm.s32 $0x2B1A0938;
	v9 =	vimm.s32 $0x2F1E0D3C;
	v5 =	vsel vm7, $0xB80, v10  }
0x20: {  	v3 =	vsel vm1, $0x1F00, v3;
	v4 =	vcombine.low v6, v4;
	v6 =	vimm.s32 $0x1780  }
0x21: {  	v7 =	vsel vm14, $0x8C0, v7;
	v8 =	vunpack.c.0.s8.s32 v8;
	v6 =	vsel vm13, $0x1800, v6  }
0x22: {  	v9 =	vunpack.c.0.s8.s32 v9;
	v10 =	vimm.s32 $0x27160534;
	v6 =	vsel vm14, $0x80, v6  }
0x23: {  	v5 =	vsel vm6, $0x1400, v5;
	v7 =	vsel vm12, $0x1140, v7;
	v6 =	vsel vm12, $0x900, v6  }
0x24: {  	v10 =	vunpack.c.0.s8.s32 v10;
	v7 =	vsel vm11, $0x19C0, v7;
	v6 =	vsel vm11, $0x1180, v6  }
0x25: {  	v5 =	vsel vm5, $0x1C80, v5;
	v7 =	vsel vm10, $0x240, v7;
	v6 =	vsel vm10, $0x1A00, v6  }
0x26: {  	v8 =	vsel vm15, v9, v8;
	v7 =	vsel vm9, $0xAC0, v7;
	v6 =	vsel vm9, $0x280, v6  }
0x27: {  	v9 =	vimm.s32 $0x23120130;
	v7 =	vsel vm8, $0x1340, v7;
	v6 =	vsel vm8, $0xB00, v6  }
0x28: {  	v5 =	vsel vm4, $0x500, v5;
	v7 =	vsel vm7, $0x1BC0, v7;
	v6 =	vsel vm7, $0x1380, v6  }
0x29: {  	v9 =	vunpack.c.0.s8.s32 v9;
	v7 =	vsel vm6, $0x440, v7;
	v6 =	vsel vm6, $0x1C00, v6  }
0x2a: {  	v5 =	vsel vm3, $0xD80, v5;
	v7 =	vsel vm5, $0xCC0, v7;
	v6 =	vsel vm5, $0x480, v6  }
0x2b: {  	v5 =	vsel vm2, $0x1600, v5;
	v7 =	vsel vm4, $0x1540, v7;
	v6 =	vsel vm4, $0xD00, v6  }
0x2c: {  	v9 =	vsel vm15, v10, v9;
	v7 =	vsel vm3, $0x1DC0, v7;
	v6 =	vsel vm3, $0x1580, v6  }
0x2d: {  	v5 =	vsel vm0, $0x1E80, v5;
	v7 =	vsel vm2, $0x640, v7;
	v6 =	vsel vm2, $0x1E00, v6  }
0x2e: {  	v5 =	vsel vm1, $0x700, v5;
	v11 =	vsel vm0, $0xEC0, v7;
	v10 =	vsel vm0, $0x680, v6  }
0x2f: {  	v6 =	vcombine.low v9, v8;
	v8 =	vsel vm1, $0x1740, v11;
	v9 =	vimm.s32 $0x7C0  }
0x30: {  	v11 =	vimm.s32 $0x17C0;
	v7 =	vsel vm1, $0xF00, v10;
	v10 =	vimm.s32 $0xFC0  }
0x31: {  	v9 =	vsel vm13, $0x840, v9;
	v11 =	vsel vm13, $0x1840, v11;
	v10 =	vsel vm13, $0x1040, v10  }
0x32: {  	v9 =	vsel vm14, $0x10C0, v9;
	v11 =	vsel vm14, $0xC0, v11;
	v10 =	vsel vm14, $0x18C0, v10  }
0x33: {  	s7 =	rddreg [dreg:$0x0];
	v9 =	vsel vm12, $0x1940, v9;
	v11 =	vsel vm12, $0x940, v11;
	v10 =	vsel vm12, $0x140, v10  }
0x34: {  	s6 =	rddreg [dreg:$0x1];
	v9 =	vsel vm11, $0x1C0, v9;
	v11 =	vsel vm11, $0x11C0, v11;
	v10 =	vsel vm11, $0x9C0, v10  }
0x35: {  	s0 =	rddreg [dreg:$0x2];
	v9 =	vsel vm10, $0xA40, v9;
	v11 =	vsel vm10, $0x1A40, v11;
	v10 =	vsel vm10, $0x1240, v10  }
0x36: {  	s2 =	rddreg [dreg:$0x3];
	v9 =	vsel vm9, $0x12C0, v9;
	v11 =	vsel vm9, $0x2C0, v11;
	v10 =	vsel vm9, $0x1AC0, v10  }
0x37: {  	s1 =	rddreg [dreg:$0x4];
	s3 =	simm.s32 $0x0;
	s5 =	srdreg.scid;
	v9 =	vsel vm8, $0x1B40, v9;
	v11 =	vsel vm8, $0xB40, v11;
	v10 =	vsel vm8, $0x340, v10  }
0x38: {  	s4 =	stileid.u32;
	s11 =	simm.s32 $0x80;
	s12 =	simm.s32 $0x6000;
	v9 =	vsel vm7, $0x3C0, v9;
	v11 =	vsel vm7, $0x13C0, v11;
	v10 =	vsel vm7, $0xBC0, v10  }
0x39: {  	s13 =	simm.s32 $0x8000;
	s14 =	simm.s32 $0x1;
	s15 =	simm.s32 $0xA000;
	v9 =	vsel vm6, $0xC40, v9;
	v11 =	vsel vm6, $0x1C40, v11;
	v10 =	vsel vm6, $0x1440, v10  }
0x3a: {  	s16 =	simm.s32 $0x2;
	s17 =	simm.s32 $0xC000;
	s18 =	simm.s32 $0x0;
	v9 =	vsel vm5, $0x14C0, v9;
	v11 =	vsel vm5, $0x4C0, v11;
	v10 =	vsel vm5, $0x1CC0, v10  }
0x3b: {  	[smem:$0x7FF] =	sst s3;
	s5 =	sand.u32 $0x1, s5;
	s9 =	sshll.u32 s4, $0x8;
	v9 =	vsel vm4, $0x1D40, v9;
	v11 =	vsel vm4, $0xD40, v11;
	v10 =	vsel vm4, $0x540, v10  }
0x3c: {  	s6 =	sadd.s32 $0xF42800, s6;
	s8 =	ssub.s32 $0x2, s5;
	s5 =	sshll.u32 s5, $0x7;
	v9 =	vsel vm3, $0x5C0, v9;
	v11 =	vsel vm3, $0x15C0, v11;
	v10 =	vsel vm3, $0xDC0, v10  }
0x3d: {  	_ =	strace $0x80000047;
	s10 =	sshrl.u32 s8, $0x1;
	s5 =	sor.u32 s5, s9;
	v9 =	vsel vm2, $0xE40, v9;
	v11 =	vsel vm2, $0x1E40, v11;
	v10 =	vsel vm2, $0x1640, v10  }
0x3e: {  	s8 =	ssub.s32 s8, s10;
	s9 =	sshll.u32 s5, $0x4;
	s10 =	simm.s32 $0x4000;
	v9 =	vsel vm0, $0x16C0, v9;
	v11 =	vsel vm0, $0x6C0, v11;
	v10 =	vsel vm0, $0x1EC0, v10  }
0x3f: {  	s7 =	sadd.s32 s7, s9;
	s8 =	smax.u32 s8, $0x1;
	s9 =	simm.s32 $0x3;
	v9 =	vsel vm1, $0x1F40, v9;
	v11 =	vsel vm1, $0xF40, v11;
	v10 =	vsel vm1, $0x740, v10  }
.LBB2_1:
0x40: {  	[tilespmem:s3], [sflag:$0x3] =	stream.linear.gather [hbm4b:s7+s3], $0x4000, $0x38;
	[tilespmem:$0x10000] =	vst v63  }
0x41: {  	_ =	swait.ge [sflag:s9], $0x4000  }
0x42: {  	[sflag:s9] =	ssyncset.done $0x0  }
0x43: {  	[sflag:s9] =	ssyncadd.s32 $0xFFFFC000  }
0x44: {  	v12 =	vadd.s32 s3, v0;
	[tilespmem:s10], [sflag:$0x3] =	stream.linear.gather [hbm4b:s0+s3], $0x2000, $0x38;
	[tilespmem:$0x10000] =	vst v63  }
0x45: {  	v13 =	vand.u32 $0x3F, v12;
	_ =	swait.ge [sflag:s9], $0x2000  }
0x46: {  	v13 =	vor.u32 v1, v13;
	[sflag:s9] =	ssyncset.done $0x0  }
0x47: {  	[sflag:s9] =	ssyncadd.s32 $0xFFFFE000  }
0x48: {  	[tilespmem:s12], [sflag:$0x1] =	stream.indirect.gather [hbm4b:s6+s11], $0x40, s3, s11, $0xb8;
	[tilespmem:$0x10000] =	vst v63  }
0x49: {  	_ = 	snop  }
0x4a: {  	v14 =	vadd.s32 s3, v2;
	[tilespmem:s13], [sflag:$0x2] =	stream.indirect.gather [hbm4b:s6+s11], $0x40, s11, s11, $0xb8;
	[tilespmem:$0x10000] =	vst v63  }
0x4b: {  	v15 =	vand.u32 $0x3F, v14;
	v13 =	vld.idx.msk [tilespmem:v13+s10+$0x0], $0xffff  }
0x4c: {  	v15 =	vor.u32 v3, v15;
	_ =	sdelay $0x2  }
0x4d: {  	s19 =	simm.s32 $0xF000  }
0x4e: {  	[tilespmem:s19+$0xFFFFF000] =	vst v13;
	v13 =	vadd.s32 s3, v4  }
0x4f: {  	v15 =	vld.idx.msk [tilespmem:v15+s10+$0x0], $0xffff;
	v16 =	vand.u32 $0x3F, v13  }
0x50: {  	v16 =	vor.u32 v5, v16;
	_ =	sdelay $0x3  }
0x51: {  	[tilespmem:s19+$0xFFFFF400] =	vst v15;
	v15 =	vadd.s32 s3, v6  }
0x52: {  	v16 =	vld.idx.msk [tilespmem:v16+s10+$0x0], $0xffff;
	v17 =	vand.u32 $0x3F, v15  }
0x53: {  	v17 =	vor.u32 v7, v17;
	_ =	sdelay $0x3  }
0x54: {  	[tilespmem:s19+$0xFFFFF800] =	vst v16  }
0x55: {  	v16 =	vld.idx.msk [tilespmem:v17+s10+$0x0], $0xffff  }
0x56: {  	v12 =	vor.u32 v8, v12;
	_ =	sdelay $0x3  }
0x57: {  	[tilespmem:s19+$0xFFFFFC00] =	vst v16  }
0x58: {  	v12 =	vld.idx.msk [tilespmem:v12+s10+$0x0], $0xffff  }
0x59: {  	v14 =	vor.u32 v9, v14;
	_ =	sdelay $0x3  }
0x5a: {  	[tilespmem:s19+$0x0] =	vst v12  }
0x5b: {  	v12 =	vld.idx.msk [tilespmem:v14+s10+$0x0], $0xffff  }
0x5c: {  	v13 =	vor.u32 v10, v13;
	_ =	sdelay $0x3  }
0x5d: {  	[tilespmem:s19+$0x400] =	vst v12  }
0x5e: {  	v12 =	vld.idx.msk [tilespmem:v13+s10+$0x0], $0xffff  }
0x5f: {  	v13 =	vor.u32 v11, v15;
	_ =	sdelay $0x3  }
0x60: {  	s20 =	simm.s32 $0x1;
	[tilespmem:s19+$0x800] =	vst v12  }
0x61: {  	s21 =	simm.s32 $0x2;
	v12 =	vadd.s32 s20, v0;
	v13 =	vld.idx.msk [tilespmem:v13+s10+$0x0], $0xffff  }
.LBB2_2:
0x62: {  	p0 =	sne.s32 s21, $0x3F;
	v14 =	vand.u32 $0x3F, v12  }
0x63: {  	v14 =	vor.u32 v1, v14;
	_ =	sdelay $0x3  }
0x64: {  	[tilespmem:s19+$0xC00] =	vst v13  }
0x65: {  	v13 =	vld.idx.msk [tilespmem:v14+s10+$0x0], $0xffff;
	v14 =	vadd.s32 s20, v2  }
0x66: {  	v15 =	vand.u32 $0x3F, v14  }
0x67: {  	v15 =	vor.u32 v3, v15;
	_ =	sdelay $0x2  }
0x68: {  	s19 =	sadd.s32 $0x10, s19  }
0x69: {  	[tilespmem:s19+$0xFFFFF000] =	vst v13  }
0x6a: {  	v13 =	vld.idx.msk [tilespmem:v15+s10+$0x0], $0xffff;
	v15 =	vadd.s32 s20, v4  }
0x6b: {  	v16 =	vand.u32 $0x3F, v15  }
0x6c: {  	v16 =	vor.u32 v5, v16;
	_ =	sdelay $0x3  }
0x6d: {  	[tilespmem:s19+$0xFFFFF400] =	vst v13  }
0x6e: {  	v13 =	vld.idx.msk [tilespmem:v16+s10+$0x0], $0xffff;
	v16 =	vadd.s32 s20, v6;
	s20 =	smov.u32 s21  }
0x6f: {  	v17 =	vand.u32 $0x3F, v16  }
0x70: {  	v17 =	vor.u32 v7, v17;
	_ =	sdelay $0x3  }
0x71: {  	[tilespmem:s19+$0xFFFFF800] =	vst v13  }
0x72: {  	v13 =	vld.idx.msk [tilespmem:v17+s10+$0x0], $0xffff;
	_ =	sdelay $0x1  }
0x73: {  	v12 =	vor.u32 v8, v12;
	_ =	sdelay $0x3  }
0x74: {  	[tilespmem:s19+$0xFFFFFC00] =	vst v13  }
0x75: {  	v12 =	vld.idx.msk [tilespmem:v12+s10+$0x0], $0xffff;
	_ =	sdelay $0x1  }
0x76: {  	v13 =	vor.u32 v9, v14;
	_ =	sdelay $0x3  }
0x77: {  	[tilespmem:s19+$0x0] =	vst v12  }
0x78: {  	v12 =	vld.idx.msk [tilespmem:v13+s10+$0x0], $0xffff;
	_ =	sdelay $0x1  }
0x79: {  	v13 =	vor.u32 v10, v15;
	_ =	sdelay $0x3  }
0x7a: {  	[tilespmem:s19+$0x400] =	vst v12  }
0x7b: {  	v12 =	vld.idx.msk [tilespmem:v13+s10+$0x0], $0xffff;
	_ =	sdelay $0x1  }
0x7c: {  	v13 =	vor.u32 v11, v16  }
.Ltmp0:
0x7d: {  	(pc) =	sbr.rel @p0 .LBB2_2-.Ltmp0, $3  }
0x7e: {  	_ =	sdelay $0x1  }
0x7f: {  	[tilespmem:s19+$0x800] =	vst v12  }
0x80: {  	s21 =	sadd.s32 $0x1, s21;
	v12 =	vadd.s32 s20, v0;
	v13 =	vld.idx.msk [tilespmem:v13+s10+$0x0], $0xffff  }
0x81: {  	v14 =	vand.u32 $0x3F, v12  }
0x82: {  	v14 =	vor.u32 v1, v14;
	_ =	sdelay $0x3  }
0x83: {  	v58 =	vadd.s32 s20, v2;
	[tilespmem:s19+$0xC00] =	vst v13  }
0x84: {  	v15 =	vand.u32 $0x3F, v58;
	v14 =	vld.idx.msk [tilespmem:v14+s10+$0x0], $0xffff  }
0x85: {  	v15 =	vor.u32 v3, v15;
	_ =	sdelay $0x2  }
0x86: {  	s31 =	sadd.s32 $0x10, s19  }
0x87: {  	v59 =	vadd.s32 s20, v4;
	[tilespmem:s31+$0xFFFFF000] =	vst v14  }
0x88: {  	v16 =	vand.u32 $0x3F, v59;
	v15 =	vld.idx.msk [tilespmem:v15+s10+$0x0], $0xffff  }
0x89: {  	v16 =	vor.u32 v5, v16;
	_ =	sdelay $0x3  }
0x8a: {  	v60 =	vadd.s32 s20, v6;
	[tilespmem:s31+$0xFFFFF400] =	vst v15  }
0x8b: {  	v17 =	vand.u32 $0x3F, v60;
	v16 =	vld.idx.msk [tilespmem:v16+s10+$0x0], $0xffff  }
0x8c: {  	v17 =	vor.u32 v7, v17;
	_ =	sdelay $0x3  }
0x8d: {  	[tilespmem:s31+$0xFFFFF800] =	vst v16  }
0x8e: {  	v16 =	vld.idx.msk [tilespmem:v17+s10+$0x0], $0xffff  }
0x8f: {  	v61 =	vor.u32 v8, v12;
	_ =	sdelay $0x3  }
0x90: {  	[tilespmem:s31+$0xFFFFFC00] =	vst v16  }
0x91: {  	v12 =	vld.idx.msk [tilespmem:v61+s10+$0x0], $0xffff  }
0x92: {  	v13 =	vor.u32 v9, v58;
	_ =	sdelay $0x3  }
0x93: {  	[tilespmem:s31+$0x0] =	vst v12  }
0x94: {  	v12 =	vld.idx.msk [tilespmem:v13+s10+$0x0], $0xffff  }
0x95: {  	v62 =	vor.u32 v10, v59;
	_ =	sdelay $0x3  }
0x96: {  	[tilespmem:s31+$0x400] =	vst v12  }
0x97: {  	v12 =	vld.idx.msk [tilespmem:v62+s10+$0x0], $0xffff  }
0x98: {  	v63 =	vor.u32 v11, v60;
	_ =	sdelay $0x3  }
0x99: {  	[tilespmem:s31+$0x800] =	vst v12  }
0x9a: {  	v12 =	vld.idx.msk [tilespmem:v63+s10+$0x0], $0xffff;
	_ =	sdelay $0x4  }
0x9b: {  	s20 =	simm.s32 $0x0;
	s19 =	simm.s32 $0x0;
	[tilespmem:s31+$0xC00] =	vst v12  }
.LBB2_4:
0x9c: {  	s22 =	simm.s32 $0x1  }
0x9d: {  	v13 =	vadd.s32 s22, v0  }
0x9e: {  	v12 =	vshll.u32 v13, $0x6  }
0x9f: {  	v12 =	vand.u32 $0xFC0, v12  }
0xa0: {  	v12 =	vor.u32 v0, v12  }
0xa1: {  	v14 =	vadd.s32 s19, v0;
	_ =	swait.ge [sflag:s14], $0x2000  }
0xa2: {  	v15 =	vshll.u32 v14, $0x6;
	[sflag:s14] =	ssyncset.done $0x0  }
0xa3: {  	s21 =	simm.s32 $0xF000;
	v15 =	vand.u32 $0xFC0, v15;
	[sflag:s14] =	ssyncadd.s32 $0xFFFFE000  }
0xa4: {  	v15 =	vor.u32 v0, v15;
	v16 =	vld [tilespmem:s21+$0xFFFFF010]  }
0xa5: {  	v17 =	vadd.s32 s22, v2;
	v12 =	vld.idx.msk [tilespmem:v12+s12+$0x0], $0xffff  }
0xa6: {  	v18 =	vand.u32 $0x3F, v13;
	v19 =	vshll.u32 v17, $0x6  }
0xa7: {  	v18 =	vor.u32 v1, v18;
	v19 =	vand.u32 $0xFC0, v19  }
0xa8: {  	v21 =	vld [tilespmem:s21+$0xFFFFF000];
	v19 =	vor.u32 v2, v19  }
0xa9: {  	v20 =	vadd.s32 s19, v2;
	v15 =	vld.idx.msk [tilespmem:v15+s12+$0x0], $0xffff  }
0xaa: {  	v22 =	vand.u32 $0x3F, v14;
	v23 =	vshll.u32 v20, $0x6;
	v12 =	vadd.f32 v16, v12  }
0xab: {  	v16 =	vor.u32 v1, v22;
	v22 =	vand.u32 $0xFC0, v23  }
0xac: {  	v22 =	vor.u32 v2, v22;
	[tilespmem:v18+s15+$0x0] =	vst.idx.msk $0xffff, v12  }
0xad: {  	v12 =	vld.idx.msk [tilespmem:v19+s12+$0x0], $0xffff  }
0xae: {  	v15 =	vadd.f32 v21, v15;
	v23 =	vadd.s32 s22, v4;
	v18 =	vld [tilespmem:s21+$0xFFFFF410]  }
0xaf: {  	v21 =	vshll.u32 v23, $0x6;
	v19 =	vand.u32 $0x3F, v17  }
0xb0: {  	[tilespmem:v16+s15+$0x0] =	vst.idx.msk $0xffff, v15;
	v15 =	vor.u32 v3, v19;
	v16 =	vand.u32 $0xFC0, v21  }
0xb1: {  	v19 =	vld.idx.msk [tilespmem:v22+s12+$0x0], $0xffff;
	v16 =	vor.u32 v4, v16  }
0xb2: {  	v22 =	vadd.s32 s19, v4;
	v21 =	vld [tilespmem:s21+$0xFFFFF400]  }
0xb3: {  	v24 =	vand.u32 $0x3F, v20;
	v25 =	vshll.u32 v22, $0x6;
	v12 =	vadd.f32 v18, v12  }
0xb4: {  	v18 =	vor.u32 v3, v24;
	v24 =	vand.u32 $0xFC0, v25  }
0xb5: {  	v24 =	vor.u32 v4, v24;
	[tilespmem:v15+s15+$0x0] =	vst.idx.msk $0xffff, v12  }
0xb6: {  	v15 =	vld.idx.msk [tilespmem:v16+s12+$0x0], $0xffff  }
0xb7: {  	v12 =	vadd.f32 v21, v19;
	v16 =	vld [tilespmem:s21+$0xFFFFF810]  }
0xb8: {  	v19 =	vand.u32 $0x3F, v23;
	v21 =	vadd.s32 s22, v6  }
0xb9: {  	[tilespmem:v18+s15+$0x0] =	vst.idx.msk $0xffff, v12;
	v18 =	vor.u32 v5, v19;
	v12 =	vshll.u32 v21, $0x6  }
0xba: {  	v24 =	vld.idx.msk [tilespmem:v24+s12+$0x0], $0xffff;
	v19 =	vand.u32 $0xFC0, v12  }
0xbb: {  	v12 =	vadd.s32 s19, v6;
	v25 =	vld [tilespmem:s21+$0xFFFFF800];
	v26 =	vor.u32 v6, v19  }
0xbc: {  	v19 =	vand.u32 $0x3F, v22;
	v27 =	vshll.u32 v12, $0x6;
	v15 =	vadd.f32 v16, v15  }
0xbd: {  	v16 =	vor.u32 v5, v19;
	v19 =	vand.u32 $0xFC0, v27  }
0xbe: {  	s31 =	simm.s32 $0x3;
	v27 =	vor.u32 v6, v19;
	[tilespmem:v18+s15+$0x0] =	vst.idx.msk $0xffff, v15  }
0xbf: {  	v19 =	vadd.s32 s31, v0;
	v15 =	vld [tilespmem:s21+$0xFFFFFC10]  }
0xc0: {  	v18 =	vshll.u32 v19, $0x6;
	v24 =	vadd.f32 v25, v24;
	v25 =	vld.idx.msk [tilespmem:v26+s12+$0x0], $0xffff  }
0xc1: {  	v13 =	vor.u32 $0x40, v13;
	v28 =	vand.u32 $0x3F, v21;
	v18 =	vand.u32 $0xFC0, v18  }
0xc2: {  	s24 =	simm.s32 $0x2;
	v26 =	vor.u32 v0, v18;
	[tilespmem:v16+s15+$0x0] =	vst.idx.msk $0xffff, v24;
	v16 =	vor.u32 v7, v28;
	v24 =	vshll.u32 v13, $0x6  }
0xc3: {  	v18 =	vadd.s32 s24, v0;
	v27 =	vld.idx.msk [tilespmem:v27+s12+$0x0], $0xffff;
	v24 =	vor.u32 v0, v24  }
0xc4: {  	v31 =	vor.u32 $0x40, v14;
	v28 =	vshll.u32 v18, $0x6;
	v30 =	vld [tilespmem:s21+$0xFFFFFC00]  }
0xc5: {  	s23 =	simm.s32 $0xF020;
	v29 =	vand.u32 $0x3F, v12;
	v28 =	vand.u32 $0xFC0, v28;
	v15 =	vadd.f32 v15, v25  }
0xc6: {  	v14 =	vshll.u32 v31, $0x6;
	v32 =	vld [tilespmem:s23+$0xFFFFF010];
	v28 =	vor.u32 v0, v28;
	v25 =	vor.u32 v7, v29  }
0xc7: {  	v26 =	vld.idx.msk [tilespmem:v26+s12+$0x0], $0xffff;
	v29 =	vor.u32 v0, v14;
	v14 =	vadd.s32 s31, v2;
	[tilespmem:v16+s15+$0x0] =	vst.idx.msk $0xffff, v15  }
0xc8: {  	v34 =	vor.u32 $0x40, v17;
	v33 =	vshll.u32 v14, $0x6;
	v15 =	vand.u32 $0x3F, v19;
	v24 =	vld.idx.msk [tilespmem:v24+s12+$0x0], $0xffff  }
0xc9: {  	v27 =	vadd.f32 v30, v27;
	v30 =	vand.u32 $0xFC0, v33;
	v15 =	vor.u32 v1, v15;
	v51 =	vld [tilespmem:s21+$0x10]  }
0xca: {  	v35 =	vld [tilespmem:s23+$0xFFFFF000];
	v13 =	vand.u32 $0x7F, v13;
	v17 =	vand.u32 $0x3F, v18;
	v30 =	vor.u32 v2, v30  }
0xcb: {  	v13 =	vor.u32 v1, v13;
	v16 =	vadd.s32 s24, v2;
	v28 =	vld.idx.msk [tilespmem:v28+s12+$0x0], $0xffff;
	[tilespmem:v25+s15+$0x0] =	vst.idx.msk $0xffff, v27;
	v25 =	vshll.u32 v34, $0x6  }
0xcc: {  	v27 =	vshll.u32 v16, $0x6;
	v26 =	vadd.f32 v32, v26;
	v29 =	vld.idx.msk [tilespmem:v29+s12+$0x0], $0xffff;
	v25 =	vor.u32 v2, v25  }
0xcd: {  	v31 =	vand.u32 $0x7F, v31;
	v52 =	vor.u32 v1, v17;
	v36 =	vld [tilespmem:s21+$0x0];
	v17 =	vand.u32 $0xFC0, v27  }
0xce: {  	v27 =	vor.u32 v2, v17;
	[tilespmem:v15+s15+$0x0] =	vst.idx.msk $0xffff, v26;
	v15 =	vor.u32 $0x40, v20;
	v20 =	vadd.f32 v51, v24  }
0xcf: {  	v23 =	vor.u32 $0x40, v23;
	v24 =	vor.u32 v1, v31;
	v26 =	vld.idx.msk [tilespmem:v30+s12+$0x0], $0xffff  }
0xd0: {  	v17 =	vadd.s32 s31, v4;
	v28 =	vadd.f32 v35, v28;
	v30 =	vshll.u32 v15, $0x6;
	v31 =	vld [tilespmem:s23+$0xFFFFF410];
	[tilespmem:v13+s15+$0x0] =	vst.idx.msk $0xffff, v20  }
0xd1: {  	v53 =	vshll.u32 v17, $0x6;
	v30 =	vor.u32 v2, v30;
	v20 =	vand.u32 $0x3F, v14;
	v25 =	vld.idx.msk [tilespmem:v25+s12+$0x0], $0xffff  }
0xd2: {  	[tilespmem:v52+s15+$0x0] =	vst.idx.msk $0xffff, v28;
	v28 =	vadd.f32 v36, v29;
	v20 =	vor.u32 v3, v20;
	v29 =	vand.u32 $0xFC0, v53;
	v54 =	vld [tilespmem:s21+$0x410]  }
0xd3: {  	v55 =	vand.u32 $0x7F, v34;
	v57 =	vshll.u32 v23, $0x6;
	v27 =	vld.idx.msk [tilespmem:v27+s12+$0x0], $0xffff;
	v29 =	vor.u32 v4, v29  }
0xd4: {  	v56 =	vand.u32 $0x3F, v16;
	v13 =	vadd.s32 s24, v4;
	[tilespmem:v24+s15+$0x0] =	vst.idx.msk $0xffff, v28;
	v24 =	vld [tilespmem:s23+$0xFFFFF400];
	v28 =	vor.u32 v3, v55  }
0xd5: {  	v58 =	vshll.u32 v13, $0x6;
	v26 =	vadd.f32 v31, v26;
	v31 =	vor.u32 v4, v57  }
0xd6: {  	v37 =	vor.u32 $0x40, v22;
	v59 =	vor.u32 v3, v56;
	v60 =	vand.u32 $0xFC0, v58;
	v61 =	vld [tilespmem:s21+$0x400]  }
0xd7: {  	v30 =	vld.idx.msk [tilespmem:v30+s12+$0x0], $0xffff;
	[tilespmem:v20+s15+$0x0] =	vst.idx.msk $0xffff, v26;
	v22 =	vadd.f32 v54, v25;
	v25 =	vor.u32 v4, v60  }
0xd8: {  	v23 =	vand.u32 $0x7F, v23;
	v21 =	vor.u32 $0x40, v21;
	v15 =	vand.u32 $0x7F, v15;
	v29 =	vld.idx.msk [tilespmem:v29+s12+$0x0], $0xffff  }
0xd9: {  	v62 =	vor.u32 v3, v15;
	v15 =	vshll.u32 v37, $0x6;
	v24 =	vadd.f32 v24, v27;
	v27 =	vld [tilespmem:s23+$0xFFFFF810];
	[tilespmem:v28+s15+$0x0] =	vst.idx.msk $0xffff, v22  }
0xda: {  	v63 =	vor.u32 v4, v15;
	v15 =	vadd.s32 s31, v6;
	v22 =	vand.u32 $0x3F, v17;
	v38 =	vld.idx.msk [tilespmem:v31+s12+$0x0], $0xffff  }
0xdb: {  	v23 =	vor.u32 v5, v23;
	v39 =	vor.u32 v5, v22;
	v22 =	vshll.u32 v15, $0x6;
	v40 =	vld [tilespmem:s21+$0x810];
	[tilespmem:v59+s15+$0x0] =	vst.idx.msk $0xffff, v24  }
0xdc: {  	v20 =	vadd.s32 s24, v6;
	v30 =	vadd.f32 v61, v30;
	v22 =	vand.u32 $0xFC0, v22;
	v26 =	vld.idx.msk [tilespmem:v25+s12+$0x0], $0xffff  }
0xdd: {  	v28 =	vand.u32 $0x3F, v13;
	v36 =	vor.u32 v6, v22;
	v22 =	vshll.u32 v21, $0x6;
	v35 =	vld [tilespmem:s23+$0xFFFFF800]  }
0xde: {  	s25 =	simm.s32 $0x5;
	[tilespmem:v62+s15+$0x0] =	vst.idx.msk $0xffff, v30;
	v30 =	vshll.u32 v20, $0x6;
	v24 =	vor.u32 v6, v22;
	v29 =	vadd.f32 v27, v29  }
0xdf: {  	v32 =	vadd.s32 s25, v0;
	s24 =	simm.s32 $0x4;
	v34 =	vor.u32 v5, v28;
	v25 =	vld.idx.msk [tilespmem:v63+s12+$0x0], $0xffff;
	v28 =	vand.u32 $0xFC0, v30  }
0xe0: {  	v22 =	vadd.s32 s24, v0;
	v27 =	vld [tilespmem:s21+$0x800];
	v33 =	vor.u32 v6, v28;
	v30 =	vadd.f32 v40, v38;
	[tilespmem:v39+s15+$0x0] =	vst.idx.msk $0xffff, v29  }
0xe1: {  	s26 =	simm.s32 $0x6;
	s22 =	simm.s32 $0xF020;
	v37 =	vand.u32 $0x7F, v37;
	v31 =	vand.u32 $0x3F, v20;
	v28 =	vshll.u32 v22, $0x6;
	v38 =	vld [tilespmem:s23+$0xFFFFFC10]  }
.LBB2_5:
0xe2: {  	p0 =	slt.u32 s26, $0x3E;
	v28 =	vand.u32 $0xFC0, v28;
	v29 =	vshll.u32 v32, $0x6;
	v26 =	vadd.f32 v35, v26;
	v35 =	vld.idx.msk [tilespmem:v36+s12+$0x0], $0xffff;
	[tilespmem:v23+s15+$0x0] =	vst.idx.msk $0xffff, v30  }
0xe3: {  	v23 =	vor.u32 v0, v28;
	v28 =	vand.u32 $0xFC0, v29;
	v29 =	vor.u32 v5, v37;
	v24 =	vld.idx.msk [tilespmem:v24+s12+$0x0], $0xffff  }
0xe4: {  	v30 =	vor.u32 $0x40, v19;
	v19 =	vmovc v32;
	v28 =	vor.u32 v0, v28;
	[tilespmem:v34+s15+$0x0] =	vst.idx.msk $0xffff, v26;
	v26 =	vand.u32 $0x3F, v15;
	v34 =	vld [tilespmem:s21+$0xC10]  }
0xe5: {  	v21 =	vand.u32 $0x7F, v21;
	v32 =	vld.idx.msk [tilespmem:v33+s12+$0x0], $0xffff;
	v26 =	vor.u32 v7, v26;
	v33 =	vshll.u32 v30, $0x6  }
0xe6: {  	v21 =	vor.u32 v7, v21;
	v25 =	vadd.f32 v27, v25;
	v36 =	vld [tilespmem:s23+$0xFFFFFC00];
	v33 =	vor.u32 v0, v33  }
0xe7: {  	v31 =	vor.u32 v7, v31;
	v37 =	vor.u32 $0x40, v18;
	v18 =	vmovc v22;
	v27 =	vadd.s32 s24, v2  }
0xe8: {  	v35 =	vadd.f32 v38, v35;
	v22 =	vld.idx.msk [tilespmem:v23+s12+$0x0], $0xffff;
	v23 =	vshll.u32 v37, $0x6;
	[tilespmem:v29+s15+$0x0] =	vst.idx.msk $0xffff, v25;
	v25 =	vor.u32 $0x40, v12  }
0xe9: {  	s23 =	sadd.s32 $0x20, s23;
	v12 =	vmovc v20;
	v28 =	vld.idx.msk [tilespmem:v28+s12+$0x0], $0xffff;
	v23 =	vor.u32 v0, v23;
	v29 =	vshll.u32 v25, $0x6;
	v24 =	vadd.f32 v34, v24  }
0xea: {  	v38 =	vadd.s32 s25, v2;
	v20 =	vand.u32 $0x3F, v18;
	v34 =	vld [tilespmem:s23+$0xFFFFF010];
	[tilespmem:v26+s15+$0x0] =	vst.idx.msk $0xffff, v35;
	v26 =	vor.u32 v6, v29  }
0xeb: {  	v29 =	vand.u32 $0x3F, v19;
	v35 =	vshll.u32 v38, $0x6;
	v32 =	vadd.f32 v36, v32;
	v33 =	vld.idx.msk [tilespmem:v33+s12+$0x0], $0xffff;
	[tilespmem:v21+s15+$0x0] =	vst.idx.msk $0xffff, v24  }
0xec: {  	v21 =	vshll.u32 v27, $0x6;
	v24 =	vor.u32 v1, v29;
	v29 =	vand.u32 $0xFC0, v35;
	v35 =	vld [tilespmem:s22+$0x10]  }
0xed: {  	v30 =	vand.u32 $0x7F, v30;
	v29 =	vor.u32 v2, v29;
	v36 =	vld [tilespmem:s23+$0xFFFFF000];
	[tilespmem:v31+s15+$0x0] =	vst.idx.msk $0xffff, v32;
	v31 =	vor.u32 $0x40, v14;
	v14 =	vmovc v38  }
0xee: {  	v30 =	vor.u32 v1, v30;
	v32 =	vand.u32 $0x7F, v37;
	v23 =	vld.idx.msk [tilespmem:v23+s12+$0x0], $0xffff;
	v37 =	vshll.u32 v31, $0x6  }
0xef: {  	v20 =	vor.u32 v1, v20;
	v28 =	vadd.f32 v34, v28;
	v34 =	vld [tilespmem:s22+$0x0];
	v37 =	vor.u32 v2, v37  }
0xf0: {  	v21 =	vand.u32 $0xFC0, v21;
	v38 =	vadd.s32 s24, v4;
	v32 =	vor.u32 v1, v32;
	v26 =	vld.idx.msk [tilespmem:v26+s12+$0x0], $0xffff  }
0xf1: {  	v21 =	vor.u32 v2, v21;
	[tilespmem:v24+s15+$0x0] =	vst.idx.msk $0xffff, v28;
	v24 =	vor.u32 $0x40, v16;
	v28 =	vadd.f32 v35, v33;
	v33 =	vld [tilespmem:s21+$0xC00];
	s21 =	smov.u32 s22;
	s22 =	smov.u32 s23  }
0xf2: {  	v25 =	vand.u32 $0x7F, v25;
	v16 =	vmovc v27;
	v22 =	vadd.f32 v36, v22;
	v29 =	vld.idx.msk [tilespmem:v29+s12+$0x0], $0xffff;
	v35 =	vshll.u32 v24, $0x6  }
0xf3: {  	v25 =	vor.u32 v7, v25;
	v36 =	vadd.s32 s25, v4;
	v27 =	vld [tilespmem:s23+$0xFFFFF410];
	v35 =	vor.u32 v2, v35;
	[tilespmem:v30+s15+$0x0] =	vst.idx.msk $0xffff, v28  }
0xf4: {  	[tilespmem:v20+s15+$0x0] =	vst.idx.msk $0xffff, v22;
	v20 =	vand.u32 $0x3F, v14;
	v22 =	vshll.u32 v36, $0x6;
	v23 =	vadd.f32 v34, v23;
	v28 =	vld.idx.msk [tilespmem:v37+s12+$0x0], $0xffff  }
0xf5: {  	v30 =	vand.u32 $0x3F, v16;
	v20 =	vor.u32 v3, v20;
	v22 =	vand.u32 $0xFC0, v22;
	v34 =	vld [tilespmem:s21+$0x410]  }
0xf6: {  	v21 =	vld.idx.msk [tilespmem:v21+s12+$0x0], $0xffff;
	v22 =	vor.u32 v4, v22;
	[tilespmem:v32+s15+$0x0] =	vst.idx.msk $0xffff, v23;
	v23 =	vand.u32 $0x7F, v31;
	v31 =	vor.u32 $0x40, v17  }
0xf7: {  	v26 =	vadd.f32 v33, v26;
	v17 =	vmovc v36;
	v32 =	vld [tilespmem:s23+$0xFFFFF400];
	v23 =	vor.u32 v3, v23;
	v37 =	vshll.u32 v31, $0x6  }
0xf8: {  	v33 =	vshll.u32 v38, $0x6;
	v27 =	vadd.f32 v27, v29;
	v29 =	vld.idx.msk [tilespmem:v35+s12+$0x0], $0xffff;
	v35 =	vor.u32 v4, v37  }
0xf9: {  	v30 =	vor.u32 v3, v30;
	v33 =	vand.u32 $0xFC0, v33;
	v37 =	vor.u32 $0x40, v13;
	v13 =	vmovc v38;
	v36 =	vld [tilespmem:s21+$0x400];
	[tilespmem:v25+s15+$0x0] =	vst.idx.msk $0xffff, v26  }
0xfa: {  	v25 =	vor.u32 v4, v33;
	[tilespmem:v20+s15+$0x0] =	vst.idx.msk $0xffff, v27;
	v20 =	vand.u32 $0x7F, v24;
	v24 =	vadd.f32 v34, v28  }
0xfb: {  	v26 =	vshll.u32 v37, $0x6;
	v22 =	vld.idx.msk [tilespmem:v22+s12+$0x0], $0xffff;
	v27 =	vor.u32 v3, v20  }
0xfc: {  	v20 =	vadd.s32 s24, v6;
	s24 =	smov.u32 s26;
	v21 =	vadd.f32 v32, v21;
	v28 =	vld [tilespmem:s23+$0xFFFFF810];
	v32 =	vor.u32 v4, v26;
	[tilespmem:v23+s15+$0x0] =	vst.idx.msk $0xffff, v24  }
0xfd: {  	v33 =	vand.u32 $0x3F, v13;
	v23 =	vand.u32 $0x3F, v17;
	v24 =	vadd.s32 s25, v6;
	v38 =	vld.idx.msk [tilespmem:v35+s12+$0x0], $0xffff  }
0xfe: {  	[tilespmem:v30+s15+$0x0] =	vst.idx.msk $0xffff, v21;
	v30 =	vor.u32 v5, v23;
	v21 =	vshll.u32 v24, $0x6;
	v23 =	vadd.f32 v36, v29;
	v29 =	vld [tilespmem:s21+$0x810]  }
0xff: {  	v31 =	vand.u32 $0x7F, v31;
	v26 =	vld.idx.msk [tilespmem:v25+s12+$0x0], $0xffff;
	v25 =	vand.u32 $0xFC0, v21;
	v21 =	vor.u32 $0x40, v15;
	v15 =	vmovc v24  }
.Ltmp1:
0x100: {  	v35 =	vld [tilespmem:s23+$0xFFFFF800];
	v36 =	vor.u32 v6, v25;
	[tilespmem:v27+s15+$0x0] =	vst.idx.msk $0xffff, v23;
	v23 =	vor.u32 v5, v31;
	v24 =	vshll.u32 v21, $0x6;
	(pc) =	sbr.rel @p0 .LBB2_5-.Ltmp1, $4  }
0x101: {  	v27 =	vshll.u32 v20, $0x6;
	v28 =	vadd.f32 v28, v22;
	v25 =	vld.idx.msk [tilespmem:v32+s12+$0x0], $0xffff;
	v24 =	vor.u32 v6, v24  }
0x102: {  	v34 =	vor.u32 v5, v33;
	v22 =	vadd.s32 s26, v0;
	v31 =	vand.u32 $0xFC0, v27;
	v27 =	vld [tilespmem:s21+$0x800]  }
0x103: {  	s25 =	sadd.s32 $0x1, s26;
	v33 =	vor.u32 v6, v31;
	v31 =	vand.u32 $0x3F, v20;
	[tilespmem:v30+s15+$0x0] =	vst.idx.msk $0xffff, v28;
	v30 =	vadd.f32 v29, v38  }
0x104: {  	v37 =	vand.u32 $0x7F, v37;
	v32 =	vadd.s32 s25, v0;
	s26 =	sadd.s32 $0x2, s26;
	v28 =	vshll.u32 v22, $0x6;
	v38 =	vld [tilespmem:s23+$0xFFFFFC10]  }
0x105: {  	v29 =	vshll.u32 v32, $0x6  }
0x106: {  	v29 =	vand.u32 $0xFC0, v29  }
0x107: {  	v29 =	vor.u32 v0, v29  }
0x108: {  	v28 =	vand.u32 $0xFC0, v28  }
0x109: {  	v28 =	vor.u32 v0, v28  }
0x10a: {  	s26 =	sadd.s32 $0x20, s23  }
0x10b: {  	v39 =	vld [tilespmem:s26+$0xFFFFF010]  }
0x10c: {  	v40 =	vadd.s32 s25, v2;
	v29 =	vld.idx.msk [tilespmem:v29+s12+$0x0], $0xffff  }
0x10d: {  	v41 =	vand.u32 $0x3F, v32;
	v42 =	vshll.u32 v40, $0x6;
	v44 =	vld [tilespmem:s26+$0xFFFFF000]  }
0x10e: {  	v43 =	vadd.s32 s24, v2;
	v41 =	vor.u32 v1, v41;
	v42 =	vand.u32 $0xFC0, v42;
	v28 =	vld.idx.msk [tilespmem:v28+s12+$0x0], $0xffff  }
0x10f: {  	v45 =	vand.u32 $0x3F, v22;
	v46 =	vshll.u32 v43, $0x6;
	v42 =	vor.u32 v2, v42  }
0x110: {  	v58 =	vor.u32 v1, v45;
	v59 =	vand.u32 $0xFC0, v46  }
0x111: {  	v45 =	vor.u32 v2, v59;
	v29 =	vadd.f32 v39, v29;
	_ =	sdelay $0x1  }
0x112: {  	v28 =	vadd.f32 v44, v28;
	[tilespmem:v41+s15+$0x0] =	vst.idx.msk $0xffff, v29  }
0x113: {  	v29 =	vadd.s32 s25, v4;
	v41 =	vld.idx.msk [tilespmem:v42+s12+$0x0], $0xffff  }
0x114: {  	[tilespmem:v58+s15+$0x0] =	vst.idx.msk $0xffff, v28;
	v60 =	vld [tilespmem:s26+$0xFFFFF410];
	v62 =	vshll.u32 v29, $0x6  }
0x115: {  	v61 =	vand.u32 $0x3F, v40;
	v52 =	vld.idx.msk [tilespmem:v45+s12+$0x0], $0xffff;
	v28 =	vand.u32 $0xFC0, v62  }
0x116: {  	v63 =	vor.u32 v3, v61;
	v54 =	vld [tilespmem:s26+$0xFFFFF400];
	v53 =	vor.u32 v4, v28;
	v28 =	vadd.s32 s24, v4  }
0x117: {  	v47 =	vand.u32 $0x3F, v43;
	v48 =	vshll.u32 v28, $0x6  }
0x118: {  	v55 =	vor.u32 v3, v47;
	v56 =	vand.u32 $0xFC0, v48  }
0x119: {  	v41 =	vadd.f32 v60, v41;
	v47 =	vor.u32 v4, v56  }
0x11a: {  	v36 =	vld.idx.msk [tilespmem:v36+s12+$0x0], $0xffff  }
0x11b: {  	[tilespmem:v63+s15+$0x0] =	vst.idx.msk $0xffff, v41;
	v41 =	vor.u32 $0x40, v19;
	v19 =	vadd.f32 v54, v52  }
0x11c: {  	v39 =	vld.idx.msk [tilespmem:v53+s12+$0x0], $0xffff  }
0x11d: {  	v35 =	vadd.f32 v35, v26;
	v26 =	vand.u32 $0x3F, v15;
	v57 =	vld [tilespmem:s26+$0xFFFFF810];
	[tilespmem:v55+s15+$0x0] =	vst.idx.msk $0xffff, v19  }
0x11e: {  	v59 =	vor.u32 v7, v26;
	v26 =	vadd.s32 s25, v6;
	v60 =	vand.u32 $0x3F, v29;
	v42 =	vld.idx.msk [tilespmem:v47+s12+$0x0], $0xffff  }
0x11f: {  	[tilespmem:v34+s15+$0x0] =	vst.idx.msk $0xffff, v35;
	v36 =	vadd.f32 v38, v36;
	v61 =	vor.u32 v5, v60;
	v63 =	vshll.u32 v26, $0x6;
	v49 =	vld [tilespmem:s26+$0xFFFFF800]  }
0x120: {  	v33 =	vld.idx.msk [tilespmem:v33+s12+$0x0], $0xffff;
	v62 =	vand.u32 $0x3F, v28;
	v48 =	vand.u32 $0xFC0, v63;
	v19 =	vadd.s32 s24, v6  }
0x121: {  	v52 =	vor.u32 v5, v62;
	v53 =	vld [tilespmem:s23+$0xFFFFFC00];
	v34 =	vor.u32 v6, v48;
	v51 =	vshll.u32 v19, $0x6  }
0x122: {  	v18 =	vor.u32 $0x40, v18;
	v50 =	vadd.f32 v57, v39;
	v39 =	vand.u32 $0xFC0, v51  }
0x123: {  	v31 =	vor.u32 v7, v31;
	[tilespmem:v59+s15+$0x0] =	vst.idx.msk $0xffff, v36;
	v58 =	vshll.u32 v41, $0x6;
	v39 =	vor.u32 v6, v39  }
0x124: {  	v60 =	vld [tilespmem:s22+$0x10];
	v54 =	vshll.u32 v18, $0x6;
	v45 =	vor.u32 v0, v58;
	[tilespmem:v61+s15+$0x0] =	vst.idx.msk $0xffff, v50;
	v42 =	vadd.f32 v49, v42  }
0x125: {  	v35 =	vor.u32 v0, v54;
	v56 =	vld [tilespmem:s26+$0xFFFFFC10]  }
0x126: {  	v37 =	vor.u32 v5, v37;
	v33 =	vadd.f32 v53, v33;
	v34 =	vld.idx.msk [tilespmem:v34+s12+$0x0], $0xffff;
	[tilespmem:v52+s15+$0x0] =	vst.idx.msk $0xffff, v42  }
0x127: {  	v25 =	vadd.f32 v27, v25;
	v27 =	vand.u32 $0x3F, v26;
	v58 =	vor.u32 $0x40, v32;
	v59 =	vld [tilespmem:s26+$0xFFFFFC00]  }
0x128: {  	v27 =	vor.u32 v7, v27;
	[tilespmem:v31+s15+$0x0] =	vst.idx.msk $0xffff, v33;
	v31 =	vshll.u32 v58, $0x6;
	v57 =	vld.idx.msk [tilespmem:v39+s12+$0x0], $0xffff  }
0x129: {  	v22 =	vor.u32 $0x40, v22;
	v55 =	vld.idx.msk [tilespmem:v45+s12+$0x0], $0xffff;
	v61 =	vand.u32 $0x3F, v19;
	v31 =	vor.u32 v0, v31  }
0x12a: {  	v14 =	vor.u32 $0x40, v14;
	v63 =	vshll.u32 v22, $0x6;
	v33 =	vld.idx.msk [tilespmem:v35+s12+$0x0], $0xffff;
	v35 =	vor.u32 v7, v61  }
0x12b: {  	[tilespmem:v23+s15+$0x0] =	vst.idx.msk $0xffff, v30;
	v41 =	vand.u32 $0x7F, v41;
	v45 =	vor.u32 v0, v63;
	v62 =	vld [tilespmem:s22+$0x0];
	v34 =	vadd.f32 v56, v34  }
0x12c: {  	v16 =	vor.u32 $0x40, v16;
	v24 =	vld.idx.msk [tilespmem:v24+s12+$0x0], $0xffff;
	v18 =	vand.u32 $0x7F, v18;
	v23 =	vor.u32 v1, v41  }
0x12d: {  	v46 =	vshll.u32 v14, $0x6;
	v18 =	vor.u32 v1, v18;
	[tilespmem:v27+s15+$0x0] =	vst.idx.msk $0xffff, v34;
	v30 =	vadd.f32 v59, v57  }
0x12e: {  	v12 =	vor.u32 $0x40, v12;
	v48 =	vshll.u32 v16, $0x6;
	v27 =	vor.u32 v2, v46;
	v31 =	vld.idx.msk [tilespmem:v31+s12+$0x0], $0xffff  }
0x12f: {  	v32 =	vand.u32 $0x7F, v58;
	v51 =	vor.u32 $0x40, v40;
	v47 =	vadd.f32 v60, v55;
	v50 =	vld [tilespmem:s26+$0x10];
	[tilespmem:v35+s15+$0x0] =	vst.idx.msk $0xffff, v30  }
0x130: {  	v49 =	vor.u32 v2, v48;
	v33 =	vadd.f32 v62, v33;
	v30 =	vshll.u32 v12, $0x6;
	v52 =	vld.idx.msk [tilespmem:v45+s12+$0x0], $0xffff  }
0x131: {  	v53 =	vshll.u32 v51, $0x6;
	[tilespmem:v23+s15+$0x0] =	vst.idx.msk $0xffff, v47;
	v23 =	vor.u32 v1, v32;
	v30 =	vor.u32 v6, v30;
	v54 =	vld [tilespmem:s26+$0x0]  }
0x132: {  	v22 =	vand.u32 $0x7F, v22;
	v55 =	vor.u32 $0x40, v43;
	v32 =	vor.u32 v2, v53;
	[tilespmem:v18+s15+$0x0] =	vst.idx.msk $0xffff, v33;
	v18 =	vld [tilespmem:s22+$0x410]  }
0x133: {  	v22 =	vor.u32 v1, v22;
	v56 =	vshll.u32 v55, $0x6;
	v27 =	vld.idx.msk [tilespmem:v27+s12+$0x0], $0xffff  }
0x134: {  	v14 =	vand.u32 $0x7F, v14;
	v33 =	vor.u32 v2, v56;
	v58 =	vld [tilespmem:s22+$0x400];
	v31 =	vadd.f32 v50, v31  }
0x135: {  	v17 =	vor.u32 $0x40, v17;
	v13 =	vor.u32 $0x40, v13;
	v14 =	vor.u32 v3, v14;
	[tilespmem:v37+s15+$0x0] =	vst.idx.msk $0xffff, v25;
	v35 =	vld.idx.msk [tilespmem:v49+s12+$0x0], $0xffff  }
0x136: {  	v16 =	vand.u32 $0x7F, v16;
	v57 =	vshll.u32 v17, $0x6;
	[tilespmem:v23+s15+$0x0] =	vst.idx.msk $0xffff, v31;
	v23 =	vld.idx.msk [tilespmem:v30+s12+$0x0], $0xffff;
	v30 =	vadd.f32 v54, v52  }
0x137: {  	v16 =	vor.u32 v3, v16;
	v25 =	vor.u32 v4, v57;
	v31 =	vshll.u32 v13, $0x6;
	v32 =	vld.idx.msk [tilespmem:v32+s12+$0x0], $0xffff  }
0x138: {  	v18 =	vadd.f32 v18, v27;
	v27 =	vor.u32 v4, v31;
	v31 =	vld [tilespmem:s26+$0x410];
	[tilespmem:v22+s15+$0x0] =	vst.idx.msk $0xffff, v30  }
0x139: {  	v29 =	vor.u32 $0x40, v29;
	v22 =	vand.u32 $0x7F, v51;
	v30 =	vld.idx.msk [tilespmem:v33+s12+$0x0], $0xffff  }
0x13a: {  	[tilespmem:v14+s15+$0x0] =	vst.idx.msk $0xffff, v18;
	v14 =	vadd.f32 v58, v35;
	v18 =	vor.u32 v3, v22;
	v22 =	vshll.u32 v29, $0x6;
	v59 =	vld [tilespmem:s26+$0x400]  }
0x13b: {  	v28 =	vor.u32 $0x40, v28;
	v63 =	vld [tilespmem:s21+$0xC10];
	v60 =	vand.u32 $0x7F, v55;
	v22 =	vor.u32 v4, v22  }
0x13c: {  	v25 =	vld.idx.msk [tilespmem:v25+s12+$0x0], $0xffff;
	[tilespmem:v16+s15+$0x0] =	vst.idx.msk $0xffff, v14;
	v14 =	vor.u32 v3, v60;
	v16 =	vshll.u32 v28, $0x6  }
0x13d: {  	v61 =	vld [tilespmem:s22+$0x810];
	v31 =	vadd.f32 v31, v32;
	v16 =	vor.u32 v4, v16  }
0x13e: {  	v15 =	vor.u32 $0x40, v15;
	v17 =	vand.u32 $0x7F, v17;
	v27 =	vld.idx.msk [tilespmem:v27+s12+$0x0], $0xffff  }
0x13f: {  	v40 =	vshll.u32 v15, $0x6;
	v17 =	vor.u32 v5, v17;
	v62 =	vld [tilespmem:s22+$0x800];
	[tilespmem:v18+s15+$0x0] =	vst.idx.msk $0xffff, v31;
	v18 =	vadd.f32 v59, v30  }
0x140: {  	v20 =	vor.u32 $0x40, v20;
	v13 =	vand.u32 $0x7F, v13;
	v30 =	vor.u32 v6, v40;
	v22 =	vld.idx.msk [tilespmem:v22+s12+$0x0], $0xffff  }
0x141: {  	v26 =	vor.u32 $0x40, v26;
	v19 =	vor.u32 $0x40, v19;
	v13 =	vor.u32 v5, v13;
	v41 =	vld [tilespmem:s26+$0x810];
	[tilespmem:v14+s15+$0x0] =	vst.idx.msk $0xffff, v18  }
0x142: {  	v31 =	vshll.u32 v20, $0x6;
	v25 =	vadd.f32 v61, v25;
	v18 =	vand.u32 $0x7F, v29;
	v16 =	vld.idx.msk [tilespmem:v16+s12+$0x0], $0xffff  }
0x143: {  	v14 =	vor.u32 v6, v31;
	v29 =	vshll.u32 v26, $0x6;
	v18 =	vor.u32 v5, v18;
	v31 =	vld [tilespmem:s26+$0x800]  }
0x144: {  	v42 =	vld [tilespmem:s21+$0xC00];
	v27 =	vadd.f32 v62, v27;
	[tilespmem:v17+s15+$0x0] =	vst.idx.msk $0xffff, v25;
	v17 =	vor.u32 v6, v29;
	v25 =	vand.u32 $0x7F, v28  }
0x145: {  	v29 =	vshll.u32 v19, $0x6;
	v25 =	vor.u32 v5, v25;
	v28 =	vld.idx.msk [tilespmem:v30+s12+$0x0], $0xffff  }
0x146: {  	v30 =	vld [tilespmem:s22+$0xC10];
	[tilespmem:v13+s15+$0x0] =	vst.idx.msk $0xffff, v27;
	v13 =	vadd.f32 v41, v22;
	v22 =	vor.u32 v6, v29  }
0x147: {  	v27 =	vld [tilespmem:s22+$0xC00]  }
0x148: {  	v21 =	vand.u32 $0x7F, v21;
	v14 =	vld.idx.msk [tilespmem:v14+s12+$0x0], $0xffff;
	[tilespmem:v18+s15+$0x0] =	vst.idx.msk $0xffff, v13;
	v13 =	vadd.f32 v31, v16  }
0x149: {  	v12 =	vand.u32 $0x7F, v12;
	v16 =	vor.u32 v7, v21;
	v17 =	vld.idx.msk [tilespmem:v17+s12+$0x0], $0xffff  }
0x14a: {  	v15 =	vand.u32 $0x7F, v15;
	v12 =	vor.u32 v7, v12;
	v18 =	vld [tilespmem:s26+$0xC10];
	[tilespmem:v25+s15+$0x0] =	vst.idx.msk $0xffff, v13  }
0x14b: {  	v13 =	vor.u32 v7, v15;
	v15 =	vand.u32 $0x7F, v20;
	v20 =	vld.idx.msk [tilespmem:v22+s12+$0x0], $0xffff  }
0x14c: {  	v21 =	vadd.f32 v63, v24;
	v15 =	vor.u32 v7, v15;
	v22 =	vand.u32 $0x7F, v26;
	v24 =	vld [tilespmem:s26+$0xC00]  }
0x14d: {  	v23 =	vadd.f32 v42, v23;
	v19 =	vand.u32 $0x7F, v19;
	v22 =	vor.u32 v7, v22  }
0x14e: {  	v19 =	vor.u32 v7, v19;
	[tilespmem:v16+s15+$0x0] =	vst.idx.msk $0xffff, v21;
	v16 =	vadd.f32 v30, v28  }
0x14f: {  	[tilespmem:v12+s15+$0x0] =	vst.idx.msk $0xffff, v23;
	v12 =	vadd.f32 v27, v14  }
0x150: {  	s21 =	sshll.u32 s20, $0x1;
	[tilespmem:v13+s15+$0x0] =	vst.idx.msk $0xffff, v16;
	v13 =	vadd.f32 v18, v17  }
0x151: {  	s26 =	sadd.s32 s5, s21;
	[tilespmem:v15+s15+$0x0] =	vst.idx.msk $0xffff, v12;
	v12 =	vadd.f32 v24, v20  }
0x152: {  	s22 =	sshll.u32 s26, $0xA;
	[tilespmem:v22+s15+$0x0] =	vst.idx.msk $0xffff, v13  }
0x153: {  	s30 =	simm.s32 $0x0;
	s31 =	simm.s32 $0x1;
	s22 =	sadd.s32 s2, s22;
	[tilespmem:v19+s15+$0x0] =	vst.idx.msk $0xffff, v12  }
0x154: {  	[hbm4b:s22+s30] =	stream.linear.scatter [tilespmem:s15], [sflag:$0x3], $0x2000, $0x38;
	[tilespmem:$0x10000] =	vst v63  }
0x155: {  	v13 =	vadd.s32 s31, v0;
	s22 =	sshll.u32 s20, $0xA  }
0x156: {  	v12 =	vshll.u32 v13, $0x6;
	_ =	swait.ge [sflag:s9], $0x2000;
	s26 =	sadd.s32 $0x400, s22  }
0x157: {  	v12 =	vand.u32 $0xFC0, v12;
	[sflag:s9] =	ssyncset.done $0x0;
	s23 =	sand.u32 $0xFC00, s26  }
0x158: {  	v12 =	vor.u32 v0, v12;
	[sflag:s9] =	ssyncadd.s32 $0xFFFFE000;
	s23 =	sshrl.u32 s23, $0x2  }
0x159: {  	v14 =	vadd.s32 s30, v0;
	[tilespmem:s12], [sflag:$0x1] =	stream.indirect.gather [hbm4b:s6+s11], $0x40, s23, s11, $0xb8;
	[tilespmem:$0x10000] =	vst v63  }
0x15a: {  	v15 =	vshll.u32 v14, $0x6;
	_ =	swait.ge [sflag:s16], $0x2000  }
0x15b: {  	v15 =	vand.u32 $0xFC0, v15;
	[sflag:s16] =	ssyncset.done $0x0  }
0x15c: {  	v15 =	vor.u32 v0, v15;
	[sflag:s16] =	ssyncadd.s32 $0xFFFFE000  }
0x15d: {  	s23 =	simm.s32 $0xF000;
	v12 =	vld.idx.msk [tilespmem:v12+s13+$0x0], $0xffff  }
0x15e: {  	v17 =	vadd.s32 s31, v2;
	v16 =	vld [tilespmem:s23+$0xFFFFF010]  }
0x15f: {  	v18 =	vand.u32 $0x3F, v13;
	v19 =	vshll.u32 v17, $0x6  }
0x160: {  	v18 =	vor.u32 v1, v18;
	v19 =	vand.u32 $0xFC0, v19  }
0x161: {  	v19 =	vor.u32 v2, v19;
	v15 =	vld.idx.msk [tilespmem:v15+s13+$0x0], $0xffff  }
0x162: {  	v20 =	vadd.s32 s30, v2;
	v21 =	vld [tilespmem:s23+$0xFFFFF000]  }
0x163: {  	v22 =	vand.u32 $0x3F, v14;
	v23 =	vshll.u32 v20, $0x6;
	v12 =	vadd.f32 v16, v12  }
0x164: {  	v16 =	vor.u32 v1, v22;
	v22 =	vand.u32 $0xFC0, v23  }
0x165: {  	v22 =	vor.u32 v2, v22;
	[tilespmem:v18+s17+$0x0] =	vst.idx.msk $0xffff, v12  }
0x166: {  	v12 =	vld.idx.msk [tilespmem:v19+s13+$0x0], $0xffff  }
0x167: {  	v15 =	vadd.f32 v21, v15;
	v23 =	vadd.s32 s31, v4;
	v18 =	vld [tilespmem:s23+$0xFFFFF410]  }
0x168: {  	v21 =	vshll.u32 v23, $0x6;
	v19 =	vand.u32 $0x3F, v17  }
0x169: {  	[tilespmem:v16+s17+$0x0] =	vst.idx.msk $0xffff, v15;
	v15 =	vor.u32 v3, v19;
	v16 =	vand.u32 $0xFC0, v21  }
0x16a: {  	v19 =	vld.idx.msk [tilespmem:v22+s13+$0x0], $0xffff;
	v16 =	vor.u32 v4, v16  }
0x16b: {  	v22 =	vadd.s32 s30, v4;
	v21 =	vld [tilespmem:s23+$0xFFFFF400]  }
0x16c: {  	v24 =	vand.u32 $0x3F, v20;
	v25 =	vshll.u32 v22, $0x6;
	v12 =	vadd.f32 v18, v12  }
0x16d: {  	v18 =	vor.u32 v3, v24;
	v24 =	vand.u32 $0xFC0, v25  }
0x16e: {  	v24 =	vor.u32 v4, v24;
	[tilespmem:v15+s17+$0x0] =	vst.idx.msk $0xffff, v12  }
0x16f: {  	v15 =	vld.idx.msk [tilespmem:v16+s13+$0x0], $0xffff  }
0x170: {  	v12 =	vadd.f32 v21, v19;
	v16 =	vld [tilespmem:s23+$0xFFFFF810]  }
0x171: {  	v19 =	vand.u32 $0x3F, v23;
	v21 =	vadd.s32 s31, v6  }
0x172: {  	[tilespmem:v18+s17+$0x0] =	vst.idx.msk $0xffff, v12;
	v18 =	vor.u32 v5, v19;
	v12 =	vshll.u32 v21, $0x6  }
0x173: {  	v24 =	vld.idx.msk [tilespmem:v24+s13+$0x0], $0xffff;
	v19 =	vand.u32 $0xFC0, v12  }
0x174: {  	v12 =	vadd.s32 s30, v6;
	v25 =	vld [tilespmem:s23+$0xFFFFF800];
	v26 =	vor.u32 v6, v19  }
0x175: {  	v19 =	vand.u32 $0x3F, v22;
	v27 =	vshll.u32 v12, $0x6;
	v15 =	vadd.f32 v16, v15  }
0x176: {  	v16 =	vor.u32 v5, v19;
	v19 =	vand.u32 $0xFC0, v27  }
0x177: {  	s30 =	simm.s32 $0x3;
	v27 =	vor.u32 v6, v19;
	[tilespmem:v18+s17+$0x0] =	vst.idx.msk $0xffff, v15  }
0x178: {  	v19 =	vadd.s32 s30, v0;
	v15 =	vld [tilespmem:s23+$0xFFFFFC10]  }
0x179: {  	v18 =	vshll.u32 v19, $0x6;
	v24 =	vadd.f32 v25, v24;
	v25 =	vld.idx.msk [tilespmem:v26+s13+$0x0], $0xffff  }
0x17a: {  	v13 =	vor.u32 $0x40, v13;
	v28 =	vand.u32 $0x3F, v21;
	v18 =	vand.u32 $0xFC0, v18  }
0x17b: {  	s31 =	simm.s32 $0x2;
	v26 =	vor.u32 v0, v18;
	[tilespmem:v16+s17+$0x0] =	vst.idx.msk $0xffff, v24;
	v16 =	vor.u32 v7, v28;
	v24 =	vshll.u32 v13, $0x6  }
0x17c: {  	v18 =	vadd.s32 s31, v0;
	v27 =	vld.idx.msk [tilespmem:v27+s13+$0x0], $0xffff;
	v24 =	vor.u32 v0, v24  }
0x17d: {  	v31 =	vor.u32 $0x40, v14;
	v28 =	vshll.u32 v18, $0x6;
	v30 =	vld [tilespmem:s23+$0xFFFFFC00]  }
0x17e: {  	s25 =	simm.s32 $0xF020;
	v29 =	vand.u32 $0x3F, v12;
	v28 =	vand.u32 $0xFC0, v28;
	v15 =	vadd.f32 v15, v25  }
0x17f: {  	v14 =	vshll.u32 v31, $0x6;
	v43 =	vld [tilespmem:s25+$0xFFFFF010];
	v28 =	vor.u32 v0, v28;
	v25 =	vor.u32 v7, v29  }
0x180: {  	v26 =	vld.idx.msk [tilespmem:v26+s13+$0x0], $0xffff;
	v29 =	vor.u32 v0, v14;
	v14 =	vadd.s32 s30, v2;
	[tilespmem:v16+s17+$0x0] =	vst.idx.msk $0xffff, v15  }
0x181: {  	v46 =	vor.u32 $0x40, v17;
	v44 =	vshll.u32 v14, $0x6;
	v15 =	vand.u32 $0x3F, v19;
	v24 =	vld.idx.msk [tilespmem:v24+s13+$0x0], $0xffff  }
0x182: {  	v27 =	vadd.f32 v30, v27;
	v30 =	vand.u32 $0xFC0, v44;
	v15 =	vor.u32 v1, v15;
	v45 =	vld [tilespmem:s23+$0x10]  }
0x183: {  	v47 =	vld [tilespmem:s25+$0xFFFFF000];
	v13 =	vand.u32 $0x7F, v13;
	v17 =	vand.u32 $0x3F, v18;
	v30 =	vor.u32 v2, v30  }
0x184: {  	v13 =	vor.u32 v1, v13;
	v16 =	vadd.s32 s31, v2;
	v28 =	vld.idx.msk [tilespmem:v28+s13+$0x0], $0xffff;
	[tilespmem:v25+s17+$0x0] =	vst.idx.msk $0xffff, v27;
	v25 =	vshll.u32 v46, $0x6  }
0x185: {  	v27 =	vshll.u32 v16, $0x6;
	v26 =	vadd.f32 v43, v26;
	v29 =	vld.idx.msk [tilespmem:v29+s13+$0x0], $0xffff;
	v25 =	vor.u32 v2, v25  }
0x186: {  	v31 =	vand.u32 $0x7F, v31;
	v48 =	vor.u32 v1, v17;
	v49 =	vld [tilespmem:s23+$0x0];
	v17 =	vand.u32 $0xFC0, v27  }
0x187: {  	v27 =	vor.u32 v2, v17;
	[tilespmem:v15+s17+$0x0] =	vst.idx.msk $0xffff, v26;
	v15 =	vor.u32 $0x40, v20;
	v20 =	vadd.f32 v45, v24  }
0x188: {  	v23 =	vor.u32 $0x40, v23;
	v24 =	vor.u32 v1, v31;
	v26 =	vld.idx.msk [tilespmem:v30+s13+$0x0], $0xffff  }
0x189: {  	v17 =	vadd.s32 s30, v4;
	v28 =	vadd.f32 v47, v28;
	v30 =	vshll.u32 v15, $0x6;
	v31 =	vld [tilespmem:s25+$0xFFFFF410];
	[tilespmem:v13+s17+$0x0] =	vst.idx.msk $0xffff, v20  }
0x18a: {  	v50 =	vshll.u32 v17, $0x6;
	v30 =	vor.u32 v2, v30;
	v20 =	vand.u32 $0x3F, v14;
	v25 =	vld.idx.msk [tilespmem:v25+s13+$0x0], $0xffff  }
0x18b: {  	[tilespmem:v48+s17+$0x0] =	vst.idx.msk $0xffff, v28;
	v28 =	vadd.f32 v49, v29;
	v20 =	vor.u32 v3, v20;
	v29 =	vand.u32 $0xFC0, v50;
	v51 =	vld [tilespmem:s23+$0x410]  }
0x18c: {  	v52 =	vand.u32 $0x7F, v46;
	v54 =	vshll.u32 v23, $0x6;
	v27 =	vld.idx.msk [tilespmem:v27+s13+$0x0], $0xffff;
	v29 =	vor.u32 v4, v29  }
0x18d: {  	v53 =	vand.u32 $0x3F, v16;
	v13 =	vadd.s32 s31, v4;
	[tilespmem:v24+s17+$0x0] =	vst.idx.msk $0xffff, v28;
	v24 =	vld [tilespmem:s25+$0xFFFFF400];
	v28 =	vor.u32 v3, v52  }
0x18e: {  	v55 =	vshll.u32 v13, $0x6;
	v26 =	vadd.f32 v31, v26;
	v31 =	vor.u32 v4, v54  }
0x18f: {  	v59 =	vor.u32 $0x40, v22;
	v56 =	vor.u32 v3, v53;
	v57 =	vand.u32 $0xFC0, v55;
	v58 =	vld [tilespmem:s23+$0x400]  }
0x190: {  	v30 =	vld.idx.msk [tilespmem:v30+s13+$0x0], $0xffff;
	[tilespmem:v20+s17+$0x0] =	vst.idx.msk $0xffff, v26;
	v22 =	vadd.f32 v51, v25;
	v25 =	vor.u32 v4, v57  }
0x191: {  	v23 =	vand.u32 $0x7F, v23;
	v21 =	vor.u32 $0x40, v21;
	v15 =	vand.u32 $0x7F, v15;
	v26 =	vld.idx.msk [tilespmem:v29+s13+$0x0], $0xffff  }
0x192: {  	v29 =	vor.u32 v3, v15;
	v15 =	vshll.u32 v59, $0x6;
	v24 =	vadd.f32 v24, v27;
	v27 =	vld [tilespmem:s25+$0xFFFFF810];
	[tilespmem:v28+s17+$0x0] =	vst.idx.msk $0xffff, v22  }
0x193: {  	v60 =	vor.u32 v4, v15;
	v22 =	vand.u32 $0x3F, v17;
	v15 =	vadd.s32 s30, v6;
	v61 =	vld.idx.msk [tilespmem:v31+s13+$0x0], $0xffff  }
0x194: {  	v23 =	vor.u32 v5, v23;
	v62 =	vor.u32 v5, v22;
	v22 =	vshll.u32 v15, $0x6;
	v63 =	vld [tilespmem:s23+$0x810];
	[tilespmem:v56+s17+$0x0] =	vst.idx.msk $0xffff, v24  }
0x195: {  	v20 =	vadd.s32 s31, v6;
	v30 =	vadd.f32 v58, v30;
	v22 =	vand.u32 $0xFC0, v22;
	v33 =	vld.idx.msk [tilespmem:v25+s13+$0x0], $0xffff  }
0x196: {  	v28 =	vand.u32 $0x3F, v13;
	v25 =	vor.u32 v6, v22;
	v22 =	vshll.u32 v21, $0x6;
	v36 =	vld [tilespmem:s25+$0xFFFFF800]  }
0x197: {  	s29 =	simm.s32 $0x5;
	[tilespmem:v29+s17+$0x0] =	vst.idx.msk $0xffff, v30;
	v29 =	vshll.u32 v20, $0x6;
	v24 =	vor.u32 v6, v22;
	v30 =	vadd.f32 v27, v26  }
0x198: {  	v32 =	vadd.s32 s29, v0;
	s26 =	simm.s32 $0x4;
	v35 =	vor.u32 v5, v28;
	v26 =	vld.idx.msk [tilespmem:v60+s13+$0x0], $0xffff;
	v28 =	vand.u32 $0xFC0, v29  }
0x199: {  	v22 =	vadd.s32 s26, v0;
	v27 =	vld [tilespmem:s23+$0x800];
	v34 =	vor.u32 v6, v28;
	[tilespmem:v62+s17+$0x0] =	vst.idx.msk $0xffff, v30;
	v30 =	vadd.f32 v63, v61  }
0x19a: {  	s28 =	simm.s32 $0x6;
	s24 =	simm.s32 $0xF020;
	v38 =	vand.u32 $0x7F, v59;
	v31 =	vand.u32 $0x3F, v20;
	v28 =	vshll.u32 v22, $0x6;
	v37 =	vld [tilespmem:s25+$0xFFFFFC10]  }
.LBB2_7:
0x19b: {  	p0 =	slt.u32 s28, $0x3E;
	v28 =	vand.u32 $0xFC0, v28;
	v29 =	vshll.u32 v32, $0x6;
	v33 =	vadd.f32 v36, v33;
	v25 =	vld.idx.msk [tilespmem:v25+s13+$0x0], $0xffff;
	[tilespmem:v23+s17+$0x0] =	vst.idx.msk $0xffff, v30  }
0x19c: {  	v23 =	vor.u32 v0, v28;
	v28 =	vand.u32 $0xFC0, v29;
	v29 =	vor.u32 v5, v38;
	v24 =	vld.idx.msk [tilespmem:v24+s13+$0x0], $0xffff  }
0x19d: {  	v30 =	vand.u32 $0x3F, v15;
	v28 =	vor.u32 v0, v28;
	[tilespmem:v35+s17+$0x0] =	vst.idx.msk $0xffff, v33;
	v33 =	vor.u32 $0x40, v19;
	v35 =	vld [tilespmem:s23+$0xC10];
	v19 =	vmovc v32  }
0x19e: {  	v21 =	vand.u32 $0x7F, v21;
	v30 =	vor.u32 v7, v30;
	v32 =	vld.idx.msk [tilespmem:v34+s13+$0x0], $0xffff;
	v34 =	vshll.u32 v33, $0x6  }
0x19f: {  	v21 =	vor.u32 v7, v21;
	v26 =	vadd.f32 v27, v26;
	v36 =	vld [tilespmem:s25+$0xFFFFFC00];
	v34 =	vor.u32 v0, v34  }
0x1a0: {  	v31 =	vor.u32 v7, v31;
	v38 =	vor.u32 $0x40, v18;
	v18 =	vmovc v22;
	v27 =	vadd.s32 s26, v2  }
0x1a1: {  	v25 =	vadd.f32 v37, v25;
	v22 =	vld.idx.msk [tilespmem:v23+s13+$0x0], $0xffff;
	v23 =	vshll.u32 v38, $0x6;
	[tilespmem:v29+s17+$0x0] =	vst.idx.msk $0xffff, v26;
	v26 =	vor.u32 $0x40, v12  }
0x1a2: {  	s25 =	sadd.s32 $0x20, s25;
	v12 =	vmovc v20;
	v28 =	vld.idx.msk [tilespmem:v28+s13+$0x0], $0xffff;
	v23 =	vor.u32 v0, v23;
	v29 =	vshll.u32 v26, $0x6;
	v24 =	vadd.f32 v35, v24  }
0x1a3: {  	v37 =	vadd.s32 s29, v2;
	v20 =	vand.u32 $0x3F, v18;
	v35 =	vld [tilespmem:s25+$0xFFFFF010];
	[tilespmem:v30+s17+$0x0] =	vst.idx.msk $0xffff, v25;
	v25 =	vor.u32 v6, v29  }
0x1a4: {  	v29 =	vand.u32 $0x3F, v19;
	v30 =	vshll.u32 v37, $0x6;
	v32 =	vadd.f32 v36, v32;
	v34 =	vld.idx.msk [tilespmem:v34+s13+$0x0], $0xffff;
	[tilespmem:v21+s17+$0x0] =	vst.idx.msk $0xffff, v24  }
0x1a5: {  	v21 =	vshll.u32 v27, $0x6;
	v24 =	vor.u32 v1, v29;
	v29 =	vand.u32 $0xFC0, v30;
	v30 =	vld [tilespmem:s24+$0x10]  }
0x1a6: {  	v29 =	vor.u32 v2, v29;
	v36 =	vld [tilespmem:s25+$0xFFFFF000];
	[tilespmem:v31+s17+$0x0] =	vst.idx.msk $0xffff, v32;
	v31 =	vand.u32 $0x7F, v33;
	v32 =	vor.u32 $0x40, v14;
	v14 =	vmovc v37  }
0x1a7: {  	v33 =	vand.u32 $0x7F, v38;
	v23 =	vld.idx.msk [tilespmem:v23+s13+$0x0], $0xffff;
	v31 =	vor.u32 v1, v31;
	v37 =	vshll.u32 v32, $0x6  }
0x1a8: {  	v20 =	vor.u32 v1, v20;
	v28 =	vadd.f32 v35, v28;
	v35 =	vld [tilespmem:s24+$0x0];
	v37 =	vor.u32 v2, v37  }
0x1a9: {  	v21 =	vand.u32 $0xFC0, v21;
	v38 =	vadd.s32 s26, v4;
	v33 =	vor.u32 v1, v33;
	v25 =	vld.idx.msk [tilespmem:v25+s13+$0x0], $0xffff  }
0x1aa: {  	v21 =	vor.u32 v2, v21;
	[tilespmem:v24+s17+$0x0] =	vst.idx.msk $0xffff, v28;
	v24 =	vor.u32 $0x40, v16;
	v28 =	vadd.f32 v30, v34;
	v30 =	vld [tilespmem:s23+$0xC00];
	s23 =	smov.u32 s24;
	s24 =	smov.u32 s25  }
0x1ab: {  	v26 =	vand.u32 $0x7F, v26;
	v16 =	vmovc v27;
	v22 =	vadd.f32 v36, v22;
	v29 =	vld.idx.msk [tilespmem:v29+s13+$0x0], $0xffff;
	v34 =	vshll.u32 v24, $0x6  }
0x1ac: {  	v26 =	vor.u32 v7, v26;
	v36 =	vadd.s32 s29, v4;
	v27 =	vld [tilespmem:s25+$0xFFFFF410];
	v34 =	vor.u32 v2, v34;
	[tilespmem:v31+s17+$0x0] =	vst.idx.msk $0xffff, v28  }
0x1ad: {  	[tilespmem:v20+s17+$0x0] =	vst.idx.msk $0xffff, v22;
	v20 =	vand.u32 $0x3F, v14;
	v22 =	vshll.u32 v36, $0x6;
	v23 =	vadd.f32 v35, v23;
	v28 =	vld.idx.msk [tilespmem:v37+s13+$0x0], $0xffff  }
0x1ae: {  	v31 =	vand.u32 $0x3F, v16;
	v20 =	vor.u32 v3, v20;
	v22 =	vand.u32 $0xFC0, v22;
	v35 =	vld [tilespmem:s23+$0x410]  }
0x1af: {  	v21 =	vld.idx.msk [tilespmem:v21+s13+$0x0], $0xffff;
	v22 =	vor.u32 v4, v22;
	[tilespmem:v33+s17+$0x0] =	vst.idx.msk $0xffff, v23;
	v23 =	vand.u32 $0x7F, v32;
	v32 =	vor.u32 $0x40, v17  }
0x1b0: {  	v25 =	vadd.f32 v30, v25;
	v17 =	vmovc v36;
	v33 =	vld [tilespmem:s25+$0xFFFFF400];
	v23 =	vor.u32 v3, v23;
	v37 =	vshll.u32 v32, $0x6  }
0x1b1: {  	v30 =	vshll.u32 v38, $0x6;
	v27 =	vadd.f32 v27, v29;
	v29 =	vld.idx.msk [tilespmem:v34+s13+$0x0], $0xffff;
	v34 =	vor.u32 v4, v37  }
0x1b2: {  	v39 =	vor.u32 $0x40, v13;
	v13 =	vmovc v38;
	v31 =	vor.u32 v3, v31;
	v30 =	vand.u32 $0xFC0, v30;
	v36 =	vld [tilespmem:s23+$0x400];
	[tilespmem:v26+s17+$0x0] =	vst.idx.msk $0xffff, v25  }
0x1b3: {  	v25 =	vor.u32 v4, v30;
	[tilespmem:v20+s17+$0x0] =	vst.idx.msk $0xffff, v27;
	v20 =	vand.u32 $0x7F, v24;
	v24 =	vadd.f32 v35, v28  }
0x1b4: {  	v27 =	vshll.u32 v39, $0x6;
	v22 =	vld.idx.msk [tilespmem:v22+s13+$0x0], $0xffff;
	v26 =	vor.u32 v3, v20  }
0x1b5: {  	v20 =	vadd.s32 s26, v6;
	v27 =	vor.u32 v4, v27;
	s26 =	smov.u32 s28;
	v21 =	vadd.f32 v33, v21;
	v28 =	vld [tilespmem:s25+$0xFFFFF810];
	[tilespmem:v23+s17+$0x0] =	vst.idx.msk $0xffff, v24  }
0x1b6: {  	v30 =	vand.u32 $0x3F, v13;
	v23 =	vand.u32 $0x3F, v17;
	v24 =	vadd.s32 s29, v6;
	v37 =	vld.idx.msk [tilespmem:v34+s13+$0x0], $0xffff  }
0x1b7: {  	v38 =	vor.u32 v5, v23;
	[tilespmem:v31+s17+$0x0] =	vst.idx.msk $0xffff, v21;
	v21 =	vshll.u32 v24, $0x6;
	v23 =	vadd.f32 v36, v29;
	v29 =	vld [tilespmem:s23+$0x810]  }
0x1b8: {  	v31 =	vand.u32 $0x7F, v32;
	v33 =	vld.idx.msk [tilespmem:v25+s13+$0x0], $0xffff;
	v25 =	vand.u32 $0xFC0, v21;
	v21 =	vor.u32 $0x40, v15;
	v15 =	vmovc v24  }
.Ltmp2:
0x1b9: {  	v36 =	vld [tilespmem:s25+$0xFFFFF800];
	v25 =	vor.u32 v6, v25;
	[tilespmem:v26+s17+$0x0] =	vst.idx.msk $0xffff, v23;
	v23 =	vor.u32 v5, v31;
	v24 =	vshll.u32 v21, $0x6;
	(pc) =	sbr.rel @p0 .LBB2_7-.Ltmp2, $4  }
0x1ba: {  	v31 =	vshll.u32 v20, $0x6;
	v28 =	vadd.f32 v28, v22;
	v26 =	vld.idx.msk [tilespmem:v27+s13+$0x0], $0xffff;
	v24 =	vor.u32 v6, v24  }
0x1bb: {  	v35 =	vor.u32 v5, v30;
	v22 =	vadd.s32 s28, v0;
	v30 =	vand.u32 $0xFC0, v31;
	v27 =	vld [tilespmem:s23+$0x800]  }
0x1bc: {  	s29 =	sadd.s32 $0x1, s28;
	v31 =	vand.u32 $0x3F, v20;
	v34 =	vor.u32 v6, v30;
	[tilespmem:v38+s17+$0x0] =	vst.idx.msk $0xffff, v28;
	v30 =	vadd.f32 v29, v37  }
0x1bd: {  	v32 =	vadd.s32 s29, v0;
	s28 =	sadd.s32 $0x2, s28;
	v28 =	vshll.u32 v22, $0x6;
	v38 =	vand.u32 $0x7F, v39;
	v37 =	vld [tilespmem:s25+$0xFFFFFC10]  }
0x1be: {  	v29 =	vshll.u32 v32, $0x6  }
0x1bf: {  	v29 =	vand.u32 $0xFC0, v29  }
0x1c0: {  	v29 =	vor.u32 v0, v29  }
0x1c1: {  	v28 =	vand.u32 $0xFC0, v28  }
0x1c2: {  	v28 =	vor.u32 v0, v28  }
0x1c3: {  	s28 =	sadd.s32 $0x20, s25  }
0x1c4: {  	v39 =	vld [tilespmem:s28+$0xFFFFF010]  }
0x1c5: {  	v40 =	vadd.s32 s29, v2;
	v29 =	vld.idx.msk [tilespmem:v29+s13+$0x0], $0xffff  }
0x1c6: {  	v41 =	vand.u32 $0x3F, v32;
	v42 =	vshll.u32 v40, $0x6;
	v44 =	vld [tilespmem:s28+$0xFFFFF000]  }
0x1c7: {  	v43 =	vadd.s32 s26, v2;
	v41 =	vor.u32 v1, v41;
	v42 =	vand.u32 $0xFC0, v42;
	v28 =	vld.idx.msk [tilespmem:v28+s13+$0x0], $0xffff  }
0x1c8: {  	v45 =	vand.u32 $0x3F, v22;
	v46 =	vshll.u32 v43, $0x6;
	v42 =	vor.u32 v2, v42  }
0x1c9: {  	v52 =	vor.u32 v1, v45;
	v53 =	vand.u32 $0xFC0, v46  }
0x1ca: {  	v45 =	vor.u32 v2, v53;
	v29 =	vadd.f32 v39, v29;
	_ =	sdelay $0x1  }
0x1cb: {  	v28 =	vadd.f32 v44, v28;
	[tilespmem:v41+s17+$0x0] =	vst.idx.msk $0xffff, v29  }
0x1cc: {  	v41 =	vld.idx.msk [tilespmem:v42+s13+$0x0], $0xffff  }
0x1cd: {  	[tilespmem:v52+s17+$0x0] =	vst.idx.msk $0xffff, v28;
	v29 =	vadd.s32 s29, v4;
	v54 =	vld [tilespmem:s28+$0xFFFFF410]  }
0x1ce: {  	v55 =	vand.u32 $0x3F, v40;
	v59 =	vld.idx.msk [tilespmem:v45+s13+$0x0], $0xffff;
	v56 =	vshll.u32 v29, $0x6  }
0x1cf: {  	v57 =	vor.u32 v3, v55;
	v28 =	vadd.s32 s26, v4;
	v61 =	vld [tilespmem:s28+$0xFFFFF400];
	v58 =	vand.u32 $0xFC0, v56  }
0x1d0: {  	v47 =	vand.u32 $0x3F, v43;
	v48 =	vshll.u32 v28, $0x6;
	v60 =	vor.u32 v4, v58  }
0x1d1: {  	v62 =	vor.u32 v3, v47;
	v63 =	vand.u32 $0xFC0, v48  }
0x1d2: {  	v47 =	vor.u32 v4, v63;
	v41 =	vadd.f32 v54, v41  }
0x1d3: {  	v52 =	vld.idx.msk [tilespmem:v25+s13+$0x0], $0xffff  }
0x1d4: {  	v53 =	vadd.f32 v61, v59;
	[tilespmem:v57+s17+$0x0] =	vst.idx.msk $0xffff, v41  }
0x1d5: {  	v33 =	vadd.f32 v36, v33;
	v55 =	vand.u32 $0x3F, v15;
	v39 =	vld.idx.msk [tilespmem:v60+s13+$0x0], $0xffff  }
0x1d6: {  	v36 =	vor.u32 v7, v55;
	v45 =	vor.u32 $0x40, v19;
	v56 =	vand.u32 $0x3F, v29;
	[tilespmem:v62+s17+$0x0] =	vst.idx.msk $0xffff, v53;
	v54 =	vld [tilespmem:s28+$0xFFFFF810]  }
0x1d7: {  	v25 =	vadd.s32 s29, v6;
	v19 =	vshll.u32 v45, $0x6;
	v58 =	vor.u32 v5, v56;
	v59 =	vld.idx.msk [tilespmem:v47+s13+$0x0], $0xffff  }
0x1d8: {  	v37 =	vadd.f32 v37, v52;
	v61 =	vshll.u32 v25, $0x6;
	v57 =	vor.u32 v0, v19;
	v49 =	vld [tilespmem:s28+$0xFFFFF800]  }
0x1d9: {  	[tilespmem:v35+s17+$0x0] =	vst.idx.msk $0xffff, v33;
	v62 =	vand.u32 $0xFC0, v61;
	v19 =	vadd.s32 s26, v6;
	v60 =	vand.u32 $0x3F, v28  }
0x1da: {  	v34 =	vld.idx.msk [tilespmem:v34+s13+$0x0], $0xffff;
	v33 =	vor.u32 v6, v62;
	v48 =	vshll.u32 v19, $0x6;
	v50 =	vor.u32 v5, v60  }
0x1db: {  	v51 =	vld [tilespmem:s25+$0xFFFFFC00];
	v63 =	vadd.f32 v54, v39;
	v39 =	vand.u32 $0xFC0, v48  }
0x1dc: {  	v18 =	vor.u32 $0x40, v18;
	v31 =	vor.u32 v7, v31;
	[tilespmem:v36+s17+$0x0] =	vst.idx.msk $0xffff, v37;
	v52 =	vor.u32 v6, v39  }
0x1dd: {  	v53 =	vshll.u32 v18, $0x6;
	v55 =	vadd.f32 v49, v59;
	v54 =	vld.idx.msk [tilespmem:v57+s13+$0x0], $0xffff;
	[tilespmem:v58+s17+$0x0] =	vst.idx.msk $0xffff, v63  }
0x1de: {  	v35 =	vor.u32 v0, v53;
	v42 =	vld [tilespmem:s28+$0xFFFFFC10]  }
0x1df: {  	v38 =	vor.u32 v5, v38;
	[tilespmem:v50+s17+$0x0] =	vst.idx.msk $0xffff, v55;
	v33 =	vld.idx.msk [tilespmem:v33+s13+$0x0], $0xffff  }
0x1e0: {  	v34 =	vadd.f32 v51, v34;
	v57 =	vand.u32 $0x3F, v25;
	v58 =	vor.u32 $0x40, v32;
	v59 =	vld [tilespmem:s28+$0xFFFFFC00]  }
0x1e1: {  	v26 =	vadd.f32 v27, v26;
	v27 =	vor.u32 v7, v57;
	v61 =	vshll.u32 v58, $0x6;
	v56 =	vld.idx.msk [tilespmem:v52+s13+$0x0], $0xffff  }
0x1e2: {  	v22 =	vor.u32 $0x40, v22;
	[tilespmem:v31+s17+$0x0] =	vst.idx.msk $0xffff, v34;
	v62 =	vand.u32 $0x3F, v19;
	v31 =	vor.u32 v0, v61  }
0x1e3: {  	v12 =	vor.u32 $0x40, v12;
	v34 =	vld.idx.msk [tilespmem:v35+s13+$0x0], $0xffff;
	v35 =	vor.u32 v7, v62;
	v48 =	vshll.u32 v22, $0x6  }
0x1e4: {  	[tilespmem:v23+s17+$0x0] =	vst.idx.msk $0xffff, v30;
	v45 =	vand.u32 $0x7F, v45;
	v60 =	vld [tilespmem:s24+$0x10];
	v33 =	vadd.f32 v42, v33;
	v42 =	vor.u32 v0, v48  }
0x1e5: {  	v14 =	vor.u32 $0x40, v14;
	v24 =	vld.idx.msk [tilespmem:v24+s13+$0x0], $0xffff;
	v49 =	vor.u32 v1, v45;
	v55 =	vshll.u32 v12, $0x6  }
0x1e6: {  	v18 =	vand.u32 $0x7F, v18;
	v63 =	vld [tilespmem:s24+$0x0];
	v30 =	vor.u32 v6, v55;
	[tilespmem:v27+s17+$0x0] =	vst.idx.msk $0xffff, v33;
	v50 =	vadd.f32 v59, v56  }
0x1e7: {  	v16 =	vor.u32 $0x40, v16;
	v51 =	vshll.u32 v14, $0x6;
	v18 =	vor.u32 v1, v18;
	v31 =	vld.idx.msk [tilespmem:v31+s13+$0x0], $0xffff  }
0x1e8: {  	v32 =	vand.u32 $0x7F, v58;
	v58 =	vor.u32 $0x40, v40;
	v52 =	vor.u32 v2, v51;
	v57 =	vld [tilespmem:s28+$0x10];
	[tilespmem:v35+s17+$0x0] =	vst.idx.msk $0xffff, v50  }
0x1e9: {  	[tilespmem:v38+s17+$0x0] =	vst.idx.msk $0xffff, v26;
	v61 =	vshll.u32 v58, $0x6;
	v53 =	vadd.f32 v60, v54;
	v54 =	vshll.u32 v16, $0x6;
	v59 =	vld.idx.msk [tilespmem:v42+s13+$0x0], $0xffff  }
0x1ea: {  	v60 =	vor.u32 v1, v32;
	v32 =	vor.u32 v2, v61;
	v56 =	vor.u32 v2, v54;
	v62 =	vld [tilespmem:s28+$0x0]  }
0x1eb: {  	v22 =	vand.u32 $0x7F, v22;
	v34 =	vadd.f32 v63, v34;
	[tilespmem:v49+s17+$0x0] =	vst.idx.msk $0xffff, v53;
	v63 =	vor.u32 $0x40, v43;
	v23 =	vld.idx.msk [tilespmem:v30+s13+$0x0], $0xffff  }
0x1ec: {  	v14 =	vand.u32 $0x7F, v14;
	v22 =	vor.u32 v1, v22;
	v41 =	vld [tilespmem:s24+$0x410];
	v42 =	vshll.u32 v63, $0x6  }
0x1ed: {  	[tilespmem:v18+s17+$0x0] =	vst.idx.msk $0xffff, v34;
	v27 =	vld.idx.msk [tilespmem:v52+s13+$0x0], $0xffff;
	v34 =	vor.u32 v2, v42;
	v31 =	vadd.f32 v57, v31  }
0x1ee: {  	v17 =	vor.u32 $0x40, v17;
	v14 =	vor.u32 v3, v14;
	v45 =	vld [tilespmem:s24+$0x400]  }
0x1ef: {  	v43 =	vshll.u32 v17, $0x6;
	v35 =	vld.idx.msk [tilespmem:v56+s13+$0x0], $0xffff;
	[tilespmem:v60+s17+$0x0] =	vst.idx.msk $0xffff, v31;
	v46 =	vadd.f32 v62, v59  }
0x1f0: {  	v13 =	vor.u32 $0x40, v13;
	v16 =	vand.u32 $0x7F, v16;
	v44 =	vor.u32 v4, v43;
	v32 =	vld.idx.msk [tilespmem:v32+s13+$0x0], $0xffff  }
0x1f1: {  	v29 =	vor.u32 $0x40, v29;
	v47 =	vshll.u32 v13, $0x6;
	v16 =	vor.u32 v3, v16;
	v49 =	vld [tilespmem:s28+$0x410];
	[tilespmem:v22+s17+$0x0] =	vst.idx.msk $0xffff, v46  }
0x1f2: {  	v48 =	vor.u32 v4, v47;
	v50 =	vand.u32 $0x7F, v58;
	v18 =	vadd.f32 v41, v27;
	v30 =	vld.idx.msk [tilespmem:v34+s13+$0x0], $0xffff  }
0x1f3: {  	v28 =	vor.u32 $0x40, v28;
	v53 =	vshll.u32 v29, $0x6;
	v52 =	vor.u32 v3, v50;
	v54 =	vld [tilespmem:s28+$0x400]  }
0x1f4: {  	v61 =	vld [tilespmem:s23+$0xC10];
	v55 =	vand.u32 $0x7F, v63;
	[tilespmem:v14+s17+$0x0] =	vst.idx.msk $0xffff, v18;
	v51 =	vadd.f32 v45, v35;
	v22 =	vor.u32 v4, v53  }
0x1f5: {  	v58 =	vshll.u32 v28, $0x6;
	v57 =	vor.u32 v3, v55;
	v26 =	vld.idx.msk [tilespmem:v44+s13+$0x0], $0xffff  }
0x1f6: {  	v56 =	vld [tilespmem:s24+$0x810];
	[tilespmem:v16+s17+$0x0] =	vst.idx.msk $0xffff, v51;
	v16 =	vor.u32 v4, v58;
	v31 =	vadd.f32 v49, v32  }
0x1f7: {  	v17 =	vand.u32 $0x7F, v17;
	v59 =	vor.u32 $0x40, v15;
	v27 =	vld.idx.msk [tilespmem:v48+s13+$0x0], $0xffff  }
0x1f8: {  	v17 =	vor.u32 v5, v17;
	v62 =	vshll.u32 v59, $0x6;
	v60 =	vld [tilespmem:s24+$0x800];
	[tilespmem:v52+s17+$0x0] =	vst.idx.msk $0xffff, v31;
	v63 =	vadd.f32 v54, v30  }
0x1f9: {  	v20 =	vor.u32 $0x40, v20;
	v13 =	vand.u32 $0x7F, v13;
	v37 =	vor.u32 v6, v62;
	v22 =	vld.idx.msk [tilespmem:v22+s13+$0x0], $0xffff  }
0x1fa: {  	v38 =	vshll.u32 v20, $0x6;
	v13 =	vor.u32 v5, v13;
	v25 =	vor.u32 $0x40, v25;
	v39 =	vld [tilespmem:s28+$0x810];
	[tilespmem:v57+s17+$0x0] =	vst.idx.msk $0xffff, v63  }
0x1fb: {  	v40 =	vor.u32 v6, v38;
	v41 =	vand.u32 $0x7F, v29;
	v26 =	vadd.f32 v56, v26;
	v16 =	vld.idx.msk [tilespmem:v16+s13+$0x0], $0xffff  }
0x1fc: {  	v19 =	vor.u32 $0x40, v19;
	v42 =	vshll.u32 v25, $0x6;
	v18 =	vor.u32 v5, v41;
	v43 =	vld [tilespmem:s28+$0x800]  }
0x1fd: {  	v44 =	vld [tilespmem:s23+$0xC00];
	v45 =	vor.u32 v6, v42;
	v46 =	vand.u32 $0x7F, v28;
	[tilespmem:v17+s17+$0x0] =	vst.idx.msk $0xffff, v26;
	v27 =	vadd.f32 v60, v27  }
0x1fe: {  	v48 =	vshll.u32 v19, $0x6;
	v26 =	vor.u32 v5, v46;
	v47 =	vld.idx.msk [tilespmem:v37+s13+$0x0], $0xffff  }
0x1ff: {  	v51 =	vor.u32 v6, v48;
	v49 =	vld [tilespmem:s24+$0xC10];
	[tilespmem:v13+s17+$0x0] =	vst.idx.msk $0xffff, v27;
	v50 =	vadd.f32 v39, v22  }
0x200: {  	v14 =	vld.idx.msk [tilespmem:v40+s13+$0x0], $0xffff  }
0x201: {  	v12 =	vand.u32 $0x7F, v12;
	v27 =	vld [tilespmem:s24+$0xC00];
	[tilespmem:v18+s17+$0x0] =	vst.idx.msk $0xffff, v50;
	v52 =	vadd.f32 v43, v16  }
0x202: {  	v21 =	vand.u32 $0x7F, v21;
	v12 =	vor.u32 v7, v12;
	v17 =	vld.idx.msk [tilespmem:v45+s13+$0x0], $0xffff  }
0x203: {  	v15 =	vand.u32 $0x7F, v59;
	v53 =	vor.u32 v7, v21;
	v18 =	vld [tilespmem:s28+$0xC10];
	[tilespmem:v26+s17+$0x0] =	vst.idx.msk $0xffff, v52  }
0x204: {  	v55 =	vand.u32 $0x7F, v20;
	v54 =	vor.u32 v7, v15;
	v56 =	vld.idx.msk [tilespmem:v51+s13+$0x0], $0xffff  }
0x205: {  	v58 =	vand.u32 $0x7F, v25;
	v23 =	vadd.f32 v44, v23;
	v15 =	vor.u32 v7, v55;
	v59 =	vld [tilespmem:s28+$0xC00]  }
0x206: {  	v19 =	vand.u32 $0x7F, v19;
	v57 =	vadd.f32 v61, v24;
	v22 =	vor.u32 v7, v58  }
0x207: {  	v19 =	vor.u32 v7, v19;
	[tilespmem:v12+s17+$0x0] =	vst.idx.msk $0xffff, v23;
	v60 =	vadd.f32 v49, v47  }
0x208: {  	[tilespmem:v53+s17+$0x0] =	vst.idx.msk $0xffff, v57;
	v61 =	vadd.f32 v27, v14  }
0x209: {  	s21 =	sadd.s32 s21, s5;
	[tilespmem:v54+s17+$0x0] =	vst.idx.msk $0xffff, v60;
	v62 =	vadd.f32 v18, v17  }
0x20a: {  	s21 =	sshll.u32 s21, $0xA;
	[tilespmem:v15+s17+$0x0] =	vst.idx.msk $0xffff, v61;
	v63 =	vadd.f32 v59, v56  }
0x20b: {  	s20 =	sadd.s32 $0x1, s20;
	s21 =	sadd.s32 s2, s21;
	[tilespmem:v22+s17+$0x0] =	vst.idx.msk $0xffff, v62  }
0x20c: {  	p0 =	sne.s32 s20, $0x40;
	s21 =	sadd.s32 $0x400, s21;
	[tilespmem:v19+s17+$0x0] =	vst.idx.msk $0xffff, v63  }
0x20d: {  	[hbm4b:s21+s3] =	stream.linear.scatter [tilespmem:s17], [sflag:$0x3], $0x2000, $0x38;
	[tilespmem:$0x10000] =	vst v63  }
.Ltmp3:
0x20e: {  	_ = 	snop;
	(pc) =	sbr.rel @p0 .LBB2_4-.Ltmp3, $4  }
0x20f: {  	s31 =	sadd.s32 $0x600, s22;
	_ =	swait.ge [sflag:s9], $0x2000  }
0x210: {  	s21 =	sand.u32 $0xFE00, s31;
	[sflag:s9] =	ssyncset.done $0x0  }
0x211: {  	s21 =	sshrl.u32 s21, $0x2;
	[sflag:s9] =	ssyncadd.s32 $0xFFFFE000  }
0x212: {  	[tilespmem:s13], [sflag:$0x2] =	stream.indirect.gather [hbm4b:s6+s11], $0x40, s21, s11, $0xb8;
	[tilespmem:$0x10000] =	vst v63  }
0x213: {  	s18 =	sadd.s32 $0x1, s18  }
0x214: {  	_ =	swait.ge [sflag:s14], $0x2000;
	p0 =	sne.s32 s18, s8  }
.Ltmp4:
0x215: {  	[sflag:s14] =	ssyncset.done $0x0;
	(pc) =	sbr.rel @p0 .LBB2_1-.Ltmp4, $4  }
0x216: {  	[sflag:s14] =	ssyncadd.s32 $0xFFFFE000  }
0x217: {  	_ =	swait.ge [sflag:s16], $0x2000  }
0x218: {  	[sflag:s16] =	ssyncset.done $0x0  }
0x219: {  	[sflag:s16] =	ssyncadd.s32 $0xFFFFE000  }
0x21a: {  	_ =	sfence.sel $0x180000  }
0x21b: {  	[bflag:$0x0] =	sbarrier.arrive $0xFFFF  }
0x21c: {  	p0 =	sne.s32 s4, $0x0;
	_ =	strace $0x90000047  }
0x21d: {  	s0 =	sadd.s32 @!p0 $0x100000, s1;
	[bflag:$0x2] =	sbarrier.arrive $0xFFFF  }
0x21e: {  	[sflag:s0] =	ssyncadd.tile.s32 @!p0 $0x1;
	_ =	shalt  }
.Lfunc_end2:
_tile_overlayer_lowered:
.L_overlay_start_2:
0x21f: {  	(tag) =	ssettag $0x2  }
0x220: {  	s0 =	rddreg [dreg:$0x0];
	s2 =	stileid.u32  }
0x221: {  	s1 =	rddreg [dreg:$0x1];
	p0 =	sne.s32 s2, $0x0  }
0x222: {  	s3 =	rddreg [dreg:$0x2];
	[bflag:$0x3] =	sbarrier.arrive $0xFFFF;
	s2 =	simm.s32 @!p0 $0x1C03  }
0x223: {  	[timem:s3], [sflag:s2] =	dma.local @!p0 [hbm:s0], s1  }
0x224: {  	s0 =	simm.s32 @!p0 $0x3  }
0x225: {  	_ =	swait.ge @!p0 [sflag:s0], s1  }
0x226: {  	s1 =	ssub.s32 @!p0 $0x0, s1;
	[sflag:s0] =	ssyncset.done @!p0 $0x0  }
0x227: {  	[sflag:s0] =	ssyncadd.s32 @!p0 s1  }
0x228: {  	[bflag:$0x3] =	sbarrier.arrive $0xFFFF  }
0x229: {  	_ =	shalt  }

</sc_bundles>
